<compile_context>
chip_gen: v7x
topology: tpu7x:2x2x1
jax: 0.10.2.dev20260603
libtpu: 0.0.44.dev20260713+nightly
codegen_flags: <defaults>
</compile_context>

<pallas_src>
import functools

import numpy as np
import jax
import jax.numpy as jnp
from jax import lax
from jax.experimental import pallas as pl
from jax.experimental.pallas import tpu as pltpu
from jax.experimental.pallas import tpu_sc as plsc

EMB_DIM = 64
SPE1_IDX = 2
SPE2_IDX = 3
SEQ = 200
BATCH = 1024
TOK = BATCH * SEQ
NPROWS = 80
VOCAB = 1000000

RPW = 4096
RPS = 12
RP_GRID = -(-VOCAB // (2 * RPW))
VOCAB2 = RP_GRID * RPW

NC, NS = 2, 16
NW = NC * NS
GSZ = 128
K = 50
BPW = GSZ * K
NB = 4

RBLK = 3200
GRID = TOK // RBLK


def _positional_encoding(L, d):
    position = np.arange(L, dtype=np.float32)[:, None]
    div_term = np.exp(np.arange(0, d, 2, dtype=np.float32) * (-np.log(10000.0) / d))
    pe = np.zeros((L, d), dtype=np.float32)
    pe[:, 0::2] = np.sin(position * div_term)
    pe[:, 1::2] = np.cos(position * div_term)
    return pe


_PE_REP = np.tile(_positional_encoding(SEQ, EMB_DIM), (RBLK // SEQ, 1))


def _repack_body(in_a, in_b, out_ref):
    eye = jnp.eye(EMB_DIM, dtype=jnp.float32)
    dn = (((0,), (0,)), ((), ()))
    ta = lax.dot_general(in_a[...], eye, dn,
                         preferred_element_type=jnp.float32)
    tb = lax.dot_general(in_b[...], eye, dn,
                         preferred_element_type=jnp.float32)
    out_ref[...] = jnp.concatenate([ta, tb], axis=1)


def _tc_repack(table_t):
    return pl.pallas_call(
        _repack_body,
        grid=(RP_GRID,),
        in_specs=[
            pl.BlockSpec((EMB_DIM, RPW),
                         lambda i: (0, jnp.minimum(2 * i, VOCAB // RPW))),
            pl.BlockSpec((EMB_DIM, RPW),
                         lambda i: (0, jnp.minimum(2 * i + 1, VOCAB // RPW))),
        ],
        out_specs=pl.BlockSpec((RPW, 2 * EMB_DIM), lambda i: (i, 0)),
        out_shape=jax.ShapeDtypeStruct((VOCAB2, 2 * EMB_DIM), jnp.float32),
    )(table_t, table_t)


def _sc_gather(table2, idx2, idxp2):
    mesh = plsc.VectorSubcoreMesh(core_axis_name="c", subcore_axis_name="s")

    @functools.partial(
        pl.kernel,
        mesh=mesh,
        out_type=(
            jax.ShapeDtypeStruct((TOK, 2 * EMB_DIM), jnp.float32),
            jax.ShapeDtypeStruct((NPROWS, 2 * EMB_DIM), jnp.float32),
        ),
        scratch_types=[
            pltpu.VMEM((BPW,), jnp.int32),
            pltpu.VMEM((NB, GSZ, 2 * EMB_DIM), jnp.float32),
            pltpu.VMEM((NPROWS,), jnp.int32),
            pltpu.VMEM((NPROWS, 2 * EMB_DIM), jnp.float32),
            pltpu.SemaphoreType.DMA,
        ],
        compiler_params=pltpu.CompilerParams(use_tc_tiling_on_sc=True),
    )
    def gather_kernel(table_hbm, idx_hbm, idxp_hbm, out_hbm, outp_hbm,
                      idx_v, bufs, idxp_v, pbuf, gsem):
        wid = lax.axis_index("s") * NC + lax.axis_index("c")
        base = wid * BPW
        pltpu.sync_copy(idx_hbm.at[pl.ds(base, BPW)], idx_v)

        @pl.when(wid == 0)
        def _():
            pltpu.sync_copy(idxp_hbm, idxp_v)
            pltpu.async_copy(table_hbm.at[idxp_v], pbuf, gsem).wait()
            pltpu.sync_copy(pbuf, outp_hbm)

        def fire(k, b):
            pltpu.async_copy(
                table_hbm.at[idx_v.at[pl.ds(k * GSZ, GSZ)]], bufs.at[b], gsem)

        def drain_write(k, b):
            pltpu.make_async_copy(
                table_hbm.at[idx_v.at[pl.ds(k * GSZ, GSZ)]], bufs.at[b], gsem).wait()
            pltpu.sync_copy(bufs.at[b], out_hbm.at[pl.ds(base + k * GSZ, GSZ)])

        for b in range(NB - 1):
            fire(b, b)

        def body(kq, carry):
            for b in range(NB):
                k = NB * kq + b

                @pl.when(k + NB - 1 < K)
                def _():
                    fire(k + NB - 1, (k + NB - 1) % NB)

                drain_write(k, b)
            return carry

        lax.fori_loop(0, K // NB, body, 0)
        for k in range(NB * (K // NB), K):
            drain_write(k, k % NB)

    return gather_kernel(table2, idx2, idxp2)


def _tc_body(emb_ref, code_ref, prow_ref, parp_ref, pe_ref, w_ref, b_ref, out_ref):
    parp = (parp_ref[...] & 1).astype(jnp.float32)
    pr = prow_ref[...]
    pr = pr[:, 0:EMB_DIM] * (1.0 - parp) + pr[:, EMB_DIM:] * parp
    p0 = jnp.sum(pr[0:40, :], axis=0, keepdims=True)
    p1 = jnp.sum(pr[40:80, :], axis=0, keepdims=True)

    code = code_ref[...].astype(jnp.float32)
    par = (code >= 16.0).astype(jnp.float32)
    seg = code - 16.0 * par
    m0 = (seg == float(SPE1_IDX)).astype(jnp.float32)
    m1 = (seg == float(SPE2_IDX)).astype(jnp.float32)

    pairs = emb_ref[...]
    emb = pairs[:, 0:EMB_DIM] * (1.0 - par) + pairs[:, EMB_DIM:] * par
    emb = emb * np.float32(8.0) + m0 * p0 + m1 * p1 + pe_ref[...]
    out_ref[...] = (
        jnp.dot(emb, w_ref[...], preferred_element_type=jnp.float32) + b_ref[...]
    )


def _tc_project(pairs, code_col, prows, parp, proj_w, proj_b2, pe_rep):
    return pl.pallas_call(
        _tc_body,
        grid=(GRID,),
        in_specs=[
            pl.BlockSpec((RBLK, 2 * EMB_DIM), lambda i: (i, 0)),
            pl.BlockSpec((RBLK, 1), lambda i: (i, 0)),
            pl.BlockSpec((NPROWS, 2 * EMB_DIM), lambda i: (0, 0)),
            pl.BlockSpec((NPROWS, 1), lambda i: (0, 0)),
            pl.BlockSpec((RBLK, EMB_DIM), lambda i: (0, 0)),
            pl.BlockSpec((EMB_DIM, 512), lambda i: (0, 0)),
            pl.BlockSpec((1, 512), lambda i: (0, 0)),
        ],
        out_specs=pl.BlockSpec((RBLK, 512), lambda i: (i, 0)),
        out_shape=jax.ShapeDtypeStruct((TOK, 512), jnp.float32),
    )(pairs, code_col, prows, parp, pe_rep, proj_w, proj_b2)


def _pair_id(v):
    return ((v >> (RPS + 1)) << RPS) | (v & (RPW - 1))


def kernel(context, segs, personas_no_tag, tags, emb_table, proj_w, proj_b):
    table2 = _tc_repack(emb_table.T)

    ctx = context.astype(jnp.int32)
    idx2 = _pair_id(ctx).reshape(-1)
    par = (ctx >> RPS) & 1
    code_col = (segs.astype(jnp.int32) + 16 * par).astype(
        jnp.bfloat16).reshape(TOK, 1)

    idx_p = jnp.concatenate([
        personas_no_tag[0], tags[0],
        personas_no_tag[1], tags[1],
    ]).astype(jnp.int32)
    idxp2 = _pair_id(idx_p)
    parp = ((idx_p >> RPS) & 1).reshape(NPROWS, 1)

    pairs, prows = _sc_gather(table2, idx2, idxp2)

    out = _tc_project(pairs, code_col, prows, parp, proj_w,
                      proj_b.reshape(1, 512), jnp.asarray(_PE_REP))
    return out.reshape(BATCH, SEQ, 512)

# --- scband reference (transcript-rebuilt; emitter-appended) ---
"""Pipeline reference for scband-context-emb-58677843198330 (READ-ONLY COPY).

The authoritative reference and input builder live on the scoring server;
editing this copy changes nothing except your own understanding.
"""

import jax, jax.numpy as jnp
import numpy as np

EMB_DIM = 64
SPE1_IDX = 2
SPE2_IDX = 3
VOCAB = 1000000


def positional_encoding(L, d):
    position = np.arange(L, dtype=np.float32)[:, None]
    div_term = np.exp(np.arange(0, d, 2, dtype=np.float32) * (-np.log(10000.0) / d))
    pe = np.zeros((L, d), dtype=np.float32)
    pe[:, 0::2] = np.sin(position * div_term)
    pe[:, 1::2] = np.cos(position * div_term)
    return jnp.asarray(pe)


def setup_inputs(seed: int = 0):
    key = jax.random.key(seed)
    ks = jax.random.split(key, 7)
    context = jax.random.randint(ks[0], (1024, 200), 0, VOCAB, dtype=jnp.int64 if jax.config.jax_enable_x64 else jnp.int32)
    segs = jax.random.randint(ks[1], (1024, 200), 0, 5, dtype=context.dtype)
    personas_no_tag = jax.random.randint(ks[2], (2, 32), 0, VOCAB, dtype=context.dtype)
    tags = jax.random.randint(ks[3], (2, 8), 0, VOCAB, dtype=context.dtype)
    emb_table = jax.random.normal(ks[4], (VOCAB, EMB_DIM), dtype=jnp.float32) * 0.02
    proj_w = jax.random.normal(ks[5], (EMB_DIM, 512), dtype=jnp.float32) * 0.05
    proj_b = jax.random.normal(ks[6], (512,), dtype=jnp.float32) * 0.01
    return {"context": context, "segs": segs, "personas_no_tag": personas_no_tag, "tags": tags,
            "emb_table": emb_table, "proj_w": proj_w, "proj_b": proj_b}


def reference(context, segs, personas_no_tag, tags, emb_table, proj_w, proj_b):
    # emb = self.emb(feature.context) * sqrt(emb_dim)
    emb = jnp.take(emb_table, context, axis=0) * np.sqrt(float(EMB_DIM)).astype(np.float32)
    # segs_emb computed in the original forward (unused downstream)
    segs_emb = jnp.take(emb_table, segs, axis=0)
    personas_emb = jnp.take(emb_table, personas_no_tag, axis=0)  # [2, Lp, D]
    tags_emb = jnp.take(emb_table, tags, axis=0)                 # [2, Lt, D]
    personas_emb = jnp.concatenate([personas_emb, tags_emb], axis=1).sum(axis=1)  # [2, D]

    def fn(e, idx, i):
        mask = (segs == idx)[:, :, None]
        mask = jnp.broadcast_to(mask, e.shape)
        return jnp.where(mask, e + personas_emb[i], e)

    emb = fn(emb, SPE1_IDX, 0)
    emb = fn(emb, SPE2_IDX, 1)
    pe = positional_encoding(emb.shape[1], EMB_DIM)
    emb = emb + pe[None, :, :]
    out = emb @ proj_w + proj_b
    # dropout is identity in eval mode
    return out

if __name__ == "__main__":
    import jax
    _d = setup_inputs()
    print(jax.jit(kernel)(*tuple(_d.values())))

</pallas_src>

<mosaic_0001>
#map = affine_map<(d0, d1) -> (0, 0)>
#map1 = affine_map<(d0, d1) -> (0)>
module attributes {stable_mosaic.version = 14 : i64} {
  func.func @gather_kernel(%arg0: i32, %arg1: i32, %arg2: memref<503808x128xf32, #tpu.memory_space<hbm>>, %arg3: memref<204800xi32, #tpu.memory_space<hbm>>, %arg4: memref<80xi32, #tpu.memory_space<hbm>>, %arg5: memref<204800x128xf32, #tpu.memory_space<hbm>>, %arg6: memref<80x128xf32, #tpu.memory_space<hbm>>, %arg7: memref<6400xi32, #tpu.memory_space<vmem>>, %arg8: memref<4x128x128xf32, #tpu.memory_space<vmem>>, %arg9: memref<80xi32, #tpu.memory_space<vmem>>, %arg10: memref<80x128xf32, #tpu.memory_space<vmem>>, %arg11: memref<!tpu.dma_semaphore, #tpu.memory_space<semaphore_mem>>) attributes {dimension_semantics = [#tpu.dimension_semantics<core_parallel>, #tpu.dimension_semantics<subcore_parallel>], iteration_bounds = array<i64: 2, 16>, scalar_prefetch = 0 : i64, scratch_operands = 5 : i64, tpu.core_type = #tpu.core_type<sc_vector_subcore>, window_params = [{transform_indices = #map}, {transform_indices = #map1}, {transform_indices = #map1}, {transform_indices = #map}, {transform_indices = #map}]} {
    %mul3A = arith.constant 2 : i32
    %mul3A_0 = arith.muli %arg1, %mul3A : i32
    %add3A = arith.addi %mul3A_0, %arg0 : i32
    %mul3A_1 = arith.constant 6400 : i32
    %mul3A_2 = arith.muli %add3A, %mul3A_1 : i32
    "tpu.region"() ({
      %run_scoped3A_63 = tpu.sem_alloc : memref<!tpu.dma_semaphore, #tpu.memory_space<semaphore_mem>>
      %dma_start3A_64 = tpu.memref_slice %arg3[%mul3A_2] : memref<204800xi32, #tpu.memory_space<hbm>> -> memref<6400xi32, #tpu.memory_space<hbm>>
      %dma_start3A_65 = tpu.memref_slice %arg3[%mul3A_2] : memref<204800xi32, #tpu.memory_space<hbm>> -> memref<6400xi32, #tpu.memory_space<hbm>>
      tpu.enqueue_dma source(%dma_start3A_65 : memref<6400xi32, #tpu.memory_space<hbm>>) target(%arg7 : memref<6400xi32, #tpu.memory_space<vmem>>) target_semaphore(%run_scoped3A_63 : memref<!tpu.dma_semaphore, #tpu.memory_space<semaphore_mem>>)
      %dma_wait3A_66 = tpu.memref_slice %arg3[%mul3A_2] : memref<204800xi32, #tpu.memory_space<hbm>> -> memref<6400xi32, #tpu.memory_space<hbm>>
      %dma_wait3A_67 = tpu.memref_slice %arg3[%mul3A_2] : memref<204800xi32, #tpu.memory_space<hbm>> -> memref<6400xi32, #tpu.memory_space<hbm>>
      tpu.wait_dma2 semaphore(%run_scoped3A_63 : memref<!tpu.dma_semaphore, #tpu.memory_space<semaphore_mem>>) src(%dma_wait3A_67 : memref<6400xi32, #tpu.memory_space<hbm>>) dst(%arg7 : memref<6400xi32, #tpu.memory_space<vmem>>)
      tpu.yield
    }) : () -> ()
    %eq3A = arith.constant 0 : i32
    %eq3A_3 = arith.cmpi eq, %add3A, %eq3A : i32
    %convert_element_type3A = arith.extui %eq3A_3 : i1 to i32
    %cond3A = arith.constant 0 : i32
    %cond3A_4 = arith.cmpi ne, %convert_element_type3A, %cond3A : i32
    scf.if %cond3A_4 {
      "tpu.region"() ({
        %run_scoped3A_69 = tpu.sem_alloc : memref<!tpu.dma_semaphore, #tpu.memory_space<semaphore_mem>>
        tpu.enqueue_dma source(%arg4 : memref<80xi32, #tpu.memory_space<hbm>>) target(%arg9 : memref<80xi32, #tpu.memory_space<vmem>>) target_semaphore(%run_scoped3A_69 : memref<!tpu.dma_semaphore, #tpu.memory_space<semaphore_mem>>)
        tpu.wait_dma2 semaphore(%run_scoped3A_69 : memref<!tpu.dma_semaphore, #tpu.memory_space<semaphore_mem>>) src(%arg4 : memref<80xi32, #tpu.memory_space<hbm>>) dst(%arg9 : memref<80xi32, #tpu.memory_space<vmem>>)
        tpu.yield
      }) : () -> ()
      %dma_start3A_63 = arith.constant 0 : i32
      %dma_start3A_64 = arith.constant 0 : i32
      %dma_start3A_65 = tpu.memref_slice %arg2[%dma_start3A_63, %dma_start3A_64] : memref<503808x128xf32, #tpu.memory_space<hbm>> -> memref<503808x128xf32, #tpu.memory_space<hbm>>
      tpu.enqueue_indirect_dma source(%dma_start3A_65 : memref<503808x128xf32, #tpu.memory_space<hbm>>) target(%arg10 : memref<80x128xf32, #tpu.memory_space<vmem>>) offsets(%arg9 : memref<80xi32, #tpu.memory_space<vmem>>) semaphore(%arg11 : memref<!tpu.dma_semaphore, #tpu.memory_space<semaphore_mem>>)
      %dma_wait3A_66 = arith.constant 0 : i32
      %dma_wait3A_67 = arith.constant 0 : i32
      %dma_wait3A_68 = tpu.memref_slice %arg2[%dma_wait3A_66, %dma_wait3A_67] : memref<503808x128xf32, #tpu.memory_space<hbm>> -> memref<503808x128xf32, #tpu.memory_space<hbm>>
      tpu.wait_indirect_dma semaphore(%arg11 : memref<!tpu.dma_semaphore, #tpu.memory_space<semaphore_mem>>) src(%dma_wait3A_68 : memref<503808x128xf32, #tpu.memory_space<hbm>>) dst(%arg10 : memref<80x128xf32, #tpu.memory_space<vmem>>)
      "tpu.region"() ({
        %run_scoped3A_69 = tpu.sem_alloc : memref<!tpu.dma_semaphore, #tpu.memory_space<semaphore_mem>>
        tpu.enqueue_dma source(%arg10 : memref<80x128xf32, #tpu.memory_space<vmem>>) target(%arg6 : memref<80x128xf32, #tpu.memory_space<hbm>>) target_semaphore(%run_scoped3A_69 : memref<!tpu.dma_semaphore, #tpu.memory_space<semaphore_mem>>)
        tpu.wait_dma2 semaphore(%run_scoped3A_69 : memref<!tpu.dma_semaphore, #tpu.memory_space<semaphore_mem>>) src(%arg10 : memref<80x128xf32, #tpu.memory_space<vmem>>) dst(%arg6 : memref<80x128xf32, #tpu.memory_space<hbm>>)
        tpu.yield
      }) : () -> ()
    } else {
    }
    %dma_start3A = arith.constant 0 : i32
    %dma_start3A_5 = arith.constant 0 : i32
    %dma_start3A_6 = arith.constant 0 : i32
    %dma_start3A_7 = tpu.memref_slice %arg8[%dma_start3A, %dma_start3A_5, %dma_start3A_6] : memref<4x128x128xf32, #tpu.memory_space<vmem>> -> memref<1x128x128xf32, #tpu.memory_space<vmem>>
    %dma_start3A_8 = tpu.memref_squeeze %dma_start3A_7 : memref<1x128x128xf32, #tpu.memory_space<vmem>> -> memref<128x128xf32, #tpu.memory_space<vmem>>
    %dma_start3A_9 = arith.constant 0 : i32
    %dma_start3A_10 = tpu.memref_slice %arg7[%dma_start3A_9] : memref<6400xi32, #tpu.memory_space<vmem>> -> memref<128xi32, #tpu.memory_space<vmem>>
    %dma_start3A_11 = arith.constant 0 : i32
    %dma_start3A_12 = arith.constant 0 : i32
    %dma_start3A_13 = tpu.memref_slice %arg2[%dma_start3A_11, %dma_start3A_12] : memref<503808x128xf32, #tpu.memory_space<hbm>> -> memref<503808x128xf32, #tpu.memory_space<hbm>>
    tpu.enqueue_indirect_dma source(%dma_start3A_13 : memref<503808x128xf32, #tpu.memory_space<hbm>>) target(%dma_start3A_8 : memref<128x128xf32, #tpu.memory_space<vmem>>) offsets(%dma_start3A_10 : memref<128xi32, #tpu.memory_space<vmem>>) semaphore(%arg11 : memref<!tpu.dma_semaphore, #tpu.memory_space<semaphore_mem>>)
    %dma_start3A_14 = arith.constant 1 : i32
    %dma_start3A_15 = arith.constant 0 : i32
    %dma_start3A_16 = arith.constant 0 : i32
    %dma_start3A_17 = tpu.memref_slice %arg8[%dma_start3A_14, %dma_start3A_15, %dma_start3A_16] : memref<4x128x128xf32, #tpu.memory_space<vmem>> -> memref<1x128x128xf32, #tpu.memory_space<vmem>>
    %dma_start3A_18 = tpu.memref_squeeze %dma_start3A_17 : memref<1x128x128xf32, #tpu.memory_space<vmem>> -> memref<128x128xf32, #tpu.memory_space<vmem>>
    %dma_start3A_19 = arith.constant 128 : i32
    %dma_start3A_20 = tpu.memref_slice %arg7[%dma_start3A_19] : memref<6400xi32, #tpu.memory_space<vmem>> -> memref<128xi32, #tpu.memory_space<vmem>>
    %dma_start3A_21 = arith.constant 0 : i32
    %dma_start3A_22 = arith.constant 0 : i32
    %dma_start3A_23 = tpu.memref_slice %arg2[%dma_start3A_21, %dma_start3A_22] : memref<503808x128xf32, #tpu.memory_space<hbm>> -> memref<503808x128xf32, #tpu.memory_space<hbm>>
    tpu.enqueue_indirect_dma source(%dma_start3A_23 : memref<503808x128xf32, #tpu.memory_space<hbm>>) target(%dma_start3A_18 : memref<128x128xf32, #tpu.memory_space<vmem>>) offsets(%dma_start3A_20 : memref<128xi32, #tpu.memory_space<vmem>>) semaphore(%arg11 : memref<!tpu.dma_semaphore, #tpu.memory_space<semaphore_mem>>)
    %dma_start3A_24 = arith.constant 2 : i32
    %dma_start3A_25 = arith.constant 0 : i32
    %dma_start3A_26 = arith.constant 0 : i32
    %dma_start3A_27 = tpu.memref_slice %arg8[%dma_start3A_24, %dma_start3A_25, %dma_start3A_26] : memref<4x128x128xf32, #tpu.memory_space<vmem>> -> memref<1x128x128xf32, #tpu.memory_space<vmem>>
    %dma_start3A_28 = tpu.memref_squeeze %dma_start3A_27 : memref<1x128x128xf32, #tpu.memory_space<vmem>> -> memref<128x128xf32, #tpu.memory_space<vmem>>
    %dma_start3A_29 = arith.constant 256 : i32
    %dma_start3A_30 = tpu.memref_slice %arg7[%dma_start3A_29] : memref<6400xi32, #tpu.memory_space<vmem>> -> memref<128xi32, #tpu.memory_space<vmem>>
    %dma_start3A_31 = arith.constant 0 : i32
    %dma_start3A_32 = arith.constant 0 : i32
    %dma_start3A_33 = tpu.memref_slice %arg2[%dma_start3A_31, %dma_start3A_32] : memref<503808x128xf32, #tpu.memory_space<hbm>> -> memref<503808x128xf32, #tpu.memory_space<hbm>>
    tpu.enqueue_indirect_dma source(%dma_start3A_33 : memref<503808x128xf32, #tpu.memory_space<hbm>>) target(%dma_start3A_28 : memref<128x128xf32, #tpu.memory_space<vmem>>) offsets(%dma_start3A_30 : memref<128xi32, #tpu.memory_space<vmem>>) semaphore(%arg11 : memref<!tpu.dma_semaphore, #tpu.memory_space<semaphore_mem>>)
    %scan3A = arith.constant 0 : i32
    %scan3A_34 = arith.constant 0 : i32
    %scan3A_35 = arith.constant 12 : i32
    %scan3A_36 = arith.addi %scan3A_34, %scan3A_35 : i32
    %scan3A_37 = arith.constant 1 : i32
    scf.for %scan3A_63 = %scan3A_34 to %scan3A_36 step %scan3A_37  : i32 {
      %mul3A_64 = arith.constant 4 : i32
      %mul3A_65 = arith.muli %mul3A_64, %scan3A_63 : i32
      %add3A_66 = arith.constant 0 : i32
      %add3A_67 = arith.addi %mul3A_65, %add3A_66 : i32
      %add3A_68 = arith.constant 4 : i32
      %add3A_69 = arith.addi %add3A_67, %add3A_68 : i32
      %sub3A = arith.constant 1 : i32
      %sub3A_70 = arith.subi %add3A_69, %sub3A : i32
      %lt3A = arith.constant 50 : i32
      %lt3A_71 = arith.cmpi slt, %sub3A_70, %lt3A : i32
      %convert_element_type3A_72 = arith.extui %lt3A_71 : i1 to i32
      %cond3A_73 = arith.constant 0 : i32
      %cond3A_74 = arith.cmpi ne, %convert_element_type3A_72, %cond3A_73 : i32
      scf.if %cond3A_74 {
        %add3A_174 = arith.constant 4 : i32
        %add3A_175 = arith.addi %add3A_67, %add3A_174 : i32
        %sub3A_176 = arith.constant 1 : i32
        %sub3A_177 = arith.subi %add3A_175, %sub3A_176 : i32
        %add3A_178 = arith.constant 4 : i32
        %add3A_179 = arith.addi %add3A_67, %add3A_178 : i32
        %sub3A_180 = arith.constant 1 : i32
        %sub3A_181 = arith.subi %add3A_179, %sub3A_180 : i32
        %jit3A = arith.constant 4 : i32
        %eq3A_182 = arith.constant 0 : i32
        %eq3A_183 = arith.cmpi eq, %jit3A, %eq3A_182 : i32
        %jit3A_184 = arith.constant 1 : i32
        %select_n3A = arith.select %eq3A_183, %jit3A_184, %jit3A : i32
        %rem3A = arith.remsi %sub3A_181, %select_n3A : i32
        %ne3A = arith.constant 0 : i32
        %ne3A_185 = arith.cmpi ne, %rem3A, %ne3A : i32
        %lt3A_186 = arith.constant 0 : i32
        %lt3A_187 = arith.cmpi slt, %rem3A, %lt3A_186 : i32
        %lt3A_188 = arith.constant 0 : i32
        %lt3A_189 = arith.cmpi slt, %select_n3A, %lt3A_188 : i32
        %ne3A_190 = arith.xori %lt3A_187, %lt3A_189 : i1
        %and3A = arith.andi %ne3A_190, %ne3A_185 : i1
        %add3A_191 = arith.addi %rem3A, %select_n3A : i32
        %select_n3A_192 = arith.select %and3A, %add3A_191, %rem3A : i32
        %mul3A_193 = arith.constant 128 : i32
        %mul3A_194 = arith.muli %sub3A_177, %mul3A_193 : i32
        %dma_start3A_195 = arith.constant 0 : i32
        %dma_start3A_196 = arith.constant 0 : i32
        %dma_start3A_197 = tpu.memref_slice %arg8[%select_n3A_192, %dma_start3A_195, %dma_start3A_196] : memref<4x128x128xf32, #tpu.memory_space<vmem>> -> memref<1x128x128xf32, #tpu.memory_space<vmem>>
        %dma_start3A_198 = tpu.memref_squeeze %dma_start3A_197 : memref<1x128x128xf32, #tpu.memory_space<vmem>> -> memref<128x128xf32, #tpu.memory_space<vmem>>
        %dma_start3A_199 = tpu.memref_slice %arg7[%mul3A_194] : memref<6400xi32, #tpu.memory_space<vmem>> -> memref<128xi32, #tpu.memory_space<vmem>>
        %dma_start3A_200 = arith.constant 0 : i32
        %dma_start3A_201 = arith.constant 0 : i32
        %dma_start3A_202 = tpu.memref_slice %arg2[%dma_start3A_200, %dma_start3A_201] : memref<503808x128xf32, #tpu.memory_space<hbm>> -> memref<503808x128xf32, #tpu.memory_space<hbm>>
        tpu.enqueue_indirect_dma source(%dma_start3A_202 : memref<503808x128xf32, #tpu.memory_space<hbm>>) target(%dma_start3A_198 : memref<128x128xf32, #tpu.memory_space<vmem>>) offsets(%dma_start3A_199 : memref<128xi32, #tpu.memory_space<vmem>>) semaphore(%arg11 : memref<!tpu.dma_semaphore, #tpu.memory_space<semaphore_mem>>)
      } else {
      }
      %mul3A_75 = arith.constant 128 : i32
      %mul3A_76 = arith.muli %add3A_67, %mul3A_75 : i32
      %dma_wait3A_77 = arith.constant 0 : i32
      %dma_wait3A_78 = arith.constant 0 : i32
      %dma_wait3A_79 = arith.constant 0 : i32
      %dma_wait3A_80 = tpu.memref_slice %arg8[%dma_wait3A_77, %dma_wait3A_78, %dma_wait3A_79] : memref<4x128x128xf32, #tpu.memory_space<vmem>> -> memref<1x128x128xf32, #tpu.memory_space<vmem>>
      %dma_wait3A_81 = tpu.memref_squeeze %dma_wait3A_80 : memref<1x128x128xf32, #tpu.memory_space<vmem>> -> memref<128x128xf32, #tpu.memory_space<vmem>>
      %dma_wait3A_82 = tpu.memref_slice %arg7[%mul3A_76] : memref<6400xi32, #tpu.memory_space<vmem>> -> memref<128xi32, #tpu.memory_space<vmem>>
      %dma_wait3A_83 = arith.constant 0 : i32
      %dma_wait3A_84 = arith.constant 0 : i32
      %dma_wait3A_85 = tpu.memref_slice %arg2[%dma_wait3A_83, %dma_wait3A_84] : memref<503808x128xf32, #tpu.memory_space<hbm>> -> memref<503808x128xf32, #tpu.memory_space<hbm>>
      tpu.wait_indirect_dma semaphore(%arg11 : memref<!tpu.dma_semaphore, #tpu.memory_space<semaphore_mem>>) src(%dma_wait3A_85 : memref<503808x128xf32, #tpu.memory_space<hbm>>) dst(%dma_wait3A_81 : memref<128x128xf32, #tpu.memory_space<vmem>>)
      %mul3A_86 = arith.constant 128 : i32
      %mul3A_87 = arith.muli %add3A_67, %mul3A_86 : i32
      %add3A_88 = arith.addi %mul3A_2, %mul3A_87 : i32
      %run_scoped3A_89 = arith.constant 0 : i32
      "tpu.region"() ({
        %run_scoped3A_174 = tpu.sem_alloc : memref<!tpu.dma_semaphore, #tpu.memory_space<semaphore_mem>>
        %dma_start3A_175 = arith.constant 0 : i32
        %dma_start3A_176 = arith.constant 0 : i32
        %dma_start3A_177 = tpu.memref_slice %arg8[%run_scoped3A_89, %dma_start3A_175, %dma_start3A_176] : memref<4x128x128xf32, #tpu.memory_space<vmem>> -> memref<1x128x128xf32, #tpu.memory_space<vmem>>
        %dma_start3A_178 = tpu.memref_squeeze %dma_start3A_177 : memref<1x128x128xf32, #tpu.memory_space<vmem>> -> memref<128x128xf32, #tpu.memory_space<vmem>>
        %dma_start3A_179 = arith.constant 0 : i32
        %dma_start3A_180 = tpu.memref_slice %arg5[%add3A_88, %dma_start3A_179] : memref<204800x128xf32, #tpu.memory_space<hbm>> -> memref<128x128xf32, #tpu.memory_space<hbm>>
        %dma_start3A_181 = arith.constant 0 : i32
        %dma_start3A_182 = tpu.memref_slice %arg5[%add3A_88, %dma_start3A_181] : memref<204800x128xf32, #tpu.memory_space<hbm>> -> memref<128x128xf32, #tpu.memory_space<hbm>>
        %dma_start3A_183 = arith.constant 0 : i32
        %dma_start3A_184 = arith.constant 0 : i32
        %dma_start3A_185 = tpu.memref_slice %arg8[%run_scoped3A_89, %dma_start3A_183, %dma_start3A_184] : memref<4x128x128xf32, #tpu.memory_space<vmem>> -> memref<1x128x128xf32, #tpu.memory_space<vmem>>
        %dma_start3A_186 = tpu.memref_squeeze %dma_start3A_185 : memref<1x128x128xf32, #tpu.memory_space<vmem>> -> memref<128x128xf32, #tpu.memory_space<vmem>>
        tpu.enqueue_dma source(%dma_start3A_186 : memref<128x128xf32, #tpu.memory_space<vmem>>) target(%dma_start3A_182 : memref<128x128xf32, #tpu.memory_space<hbm>>) target_semaphore(%run_scoped3A_174 : memref<!tpu.dma_semaphore, #tpu.memory_space<semaphore_mem>>)
        %dma_wait3A_187 = arith.constant 0 : i32
        %dma_wait3A_188 = arith.constant 0 : i32
        %dma_wait3A_189 = tpu.memref_slice %arg8[%run_scoped3A_89, %dma_wait3A_187, %dma_wait3A_188] : memref<4x128x128xf32, #tpu.memory_space<vmem>> -> memref<1x128x128xf32, #tpu.memory_space<vmem>>
        %dma_wait3A_190 = tpu.memref_squeeze %dma_wait3A_189 : memref<1x128x128xf32, #tpu.memory_space<vmem>> -> memref<128x128xf32, #tpu.memory_space<vmem>>
        %dma_wait3A_191 = arith.constant 0 : i32
        %dma_wait3A_192 = tpu.memref_slice %arg5[%add3A_88, %dma_wait3A_191] : memref<204800x128xf32, #tpu.memory_space<hbm>> -> memref<128x128xf32, #tpu.memory_space<hbm>>
        %dma_wait3A_193 = arith.constant 0 : i32
        %dma_wait3A_194 = tpu.memref_slice %arg5[%add3A_88, %dma_wait3A_193] : memref<204800x128xf32, #tpu.memory_space<hbm>> -> memref<128x128xf32, #tpu.memory_space<hbm>>
        %dma_wait3A_195 = arith.constant 0 : i32
        %dma_wait3A_196 = arith.constant 0 : i32
        %dma_wait3A_197 = tpu.memref_slice %arg8[%run_scoped3A_89, %dma_wait3A_195, %dma_wait3A_196] : memref<4x128x128xf32, #tpu.memory_space<vmem>> -> memref<1x128x128xf32, #tpu.memory_space<vmem>>
        %dma_wait3A_198 = tpu.memref_squeeze %dma_wait3A_197 : memref<1x128x128xf32, #tpu.memory_space<vmem>> -> memref<128x128xf32, #tpu.memory_space<vmem>>
        tpu.wait_dma2 semaphore(%run_scoped3A_174 : memref<!tpu.dma_semaphore, #tpu.memory_space<semaphore_mem>>) src(%dma_wait3A_198 : memref<128x128xf32, #tpu.memory_space<vmem>>) dst(%dma_wait3A_194 : memref<128x128xf32, #tpu.memory_space<hbm>>)
        tpu.yield
      }) : () -> ()
      %mul3A_90 = arith.constant 4 : i32
      %mul3A_91 = arith.muli %mul3A_90, %scan3A_63 : i32
      %add3A_92 = arith.constant 1 : i32
      %add3A_93 = arith.addi %mul3A_91, %add3A_92 : i32
      %add3A_94 = arith.constant 4 : i32
      %add3A_95 = arith.addi %add3A_93, %add3A_94 : i32
      %sub3A_96 = arith.constant 1 : i32
      %sub3A_97 = arith.subi %add3A_95, %sub3A_96 : i32
      %lt3A_98 = arith.constant 50 : i32
      %lt3A_99 = arith.cmpi slt, %sub3A_97, %lt3A_98 : i32
      %convert_element_type3A_100 = arith.extui %lt3A_99 : i1 to i32
      %cond3A_101 = arith.constant 0 : i32
      %cond3A_102 = arith.cmpi ne, %convert_element_type3A_100, %cond3A_101 : i32
      scf.if %cond3A_102 {
        %add3A_174 = arith.constant 4 : i32
        %add3A_175 = arith.addi %add3A_93, %add3A_174 : i32
        %sub3A_176 = arith.constant 1 : i32
        %sub3A_177 = arith.subi %add3A_175, %sub3A_176 : i32
        %add3A_178 = arith.constant 4 : i32
        %add3A_179 = arith.addi %add3A_93, %add3A_178 : i32
        %sub3A_180 = arith.constant 1 : i32
        %sub3A_181 = arith.subi %add3A_179, %sub3A_180 : i32
        %jit3A = arith.constant 4 : i32
        %eq3A_182 = arith.constant 0 : i32
        %eq3A_183 = arith.cmpi eq, %jit3A, %eq3A_182 : i32
        %jit3A_184 = arith.constant 1 : i32
        %select_n3A = arith.select %eq3A_183, %jit3A_184, %jit3A : i32
        %rem3A = arith.remsi %sub3A_181, %select_n3A : i32
        %ne3A = arith.constant 0 : i32
        %ne3A_185 = arith.cmpi ne, %rem3A, %ne3A : i32
        %lt3A_186 = arith.constant 0 : i32
        %lt3A_187 = arith.cmpi slt, %rem3A, %lt3A_186 : i32
        %lt3A_188 = arith.constant 0 : i32
        %lt3A_189 = arith.cmpi slt, %select_n3A, %lt3A_188 : i32
        %ne3A_190 = arith.xori %lt3A_187, %lt3A_189 : i1
        %and3A = arith.andi %ne3A_190, %ne3A_185 : i1
        %add3A_191 = arith.addi %rem3A, %select_n3A : i32
        %select_n3A_192 = arith.select %and3A, %add3A_191, %rem3A : i32
        %mul3A_193 = arith.constant 128 : i32
        %mul3A_194 = arith.muli %sub3A_177, %mul3A_193 : i32
        %dma_start3A_195 = arith.constant 0 : i32
        %dma_start3A_196 = arith.constant 0 : i32
        %dma_start3A_197 = tpu.memref_slice %arg8[%select_n3A_192, %dma_start3A_195, %dma_start3A_196] : memref<4x128x128xf32, #tpu.memory_space<vmem>> -> memref<1x128x128xf32, #tpu.memory_space<vmem>>
        %dma_start3A_198 = tpu.memref_squeeze %dma_start3A_197 : memref<1x128x128xf32, #tpu.memory_space<vmem>> -> memref<128x128xf32, #tpu.memory_space<vmem>>
        %dma_start3A_199 = tpu.memref_slice %arg7[%mul3A_194] : memref<6400xi32, #tpu.memory_space<vmem>> -> memref<128xi32, #tpu.memory_space<vmem>>
        %dma_start3A_200 = arith.constant 0 : i32
        %dma_start3A_201 = arith.constant 0 : i32
        %dma_start3A_202 = tpu.memref_slice %arg2[%dma_start3A_200, %dma_start3A_201] : memref<503808x128xf32, #tpu.memory_space<hbm>> -> memref<503808x128xf32, #tpu.memory_space<hbm>>
        tpu.enqueue_indirect_dma source(%dma_start3A_202 : memref<503808x128xf32, #tpu.memory_space<hbm>>) target(%dma_start3A_198 : memref<128x128xf32, #tpu.memory_space<vmem>>) offsets(%dma_start3A_199 : memref<128xi32, #tpu.memory_space<vmem>>) semaphore(%arg11 : memref<!tpu.dma_semaphore, #tpu.memory_space<semaphore_mem>>)
      } else {
      }
      %mul3A_103 = arith.constant 128 : i32
      %mul3A_104 = arith.muli %add3A_93, %mul3A_103 : i32
      %dma_wait3A_105 = arith.constant 1 : i32
      %dma_wait3A_106 = arith.constant 0 : i32
      %dma_wait3A_107 = arith.constant 0 : i32
      %dma_wait3A_108 = tpu.memref_slice %arg8[%dma_wait3A_105, %dma_wait3A_106, %dma_wait3A_107] : memref<4x128x128xf32, #tpu.memory_space<vmem>> -> memref<1x128x128xf32, #tpu.memory_space<vmem>>
      %dma_wait3A_109 = tpu.memref_squeeze %dma_wait3A_108 : memref<1x128x128xf32, #tpu.memory_space<vmem>> -> memref<128x128xf32, #tpu.memory_space<vmem>>
      %dma_wait3A_110 = tpu.memref_slice %arg7[%mul3A_104] : memref<6400xi32, #tpu.memory_space<vmem>> -> memref<128xi32, #tpu.memory_space<vmem>>
      %dma_wait3A_111 = arith.constant 0 : i32
      %dma_wait3A_112 = arith.constant 0 : i32
      %dma_wait3A_113 = tpu.memref_slice %arg2[%dma_wait3A_111, %dma_wait3A_112] : memref<503808x128xf32, #tpu.memory_space<hbm>> -> memref<503808x128xf32, #tpu.memory_space<hbm>>
      tpu.wait_indirect_dma semaphore(%arg11 : memref<!tpu.dma_semaphore, #tpu.memory_space<semaphore_mem>>) src(%dma_wait3A_113 : memref<503808x128xf32, #tpu.memory_space<hbm>>) dst(%dma_wait3A_109 : memref<128x128xf32, #tpu.memory_space<vmem>>)
      %mul3A_114 = arith.constant 128 : i32
      %mul3A_115 = arith.muli %add3A_93, %mul3A_114 : i32
      %add3A_116 = arith.addi %mul3A_2, %mul3A_115 : i32
      %run_scoped3A_117 = arith.constant 1 : i32
      "tpu.region"() ({
        %run_scoped3A_174 = tpu.sem_alloc : memref<!tpu.dma_semaphore, #tpu.memory_space<semaphore_mem>>
        %dma_start3A_175 = arith.constant 0 : i32
        %dma_start3A_176 = arith.constant 0 : i32
        %dma_start3A_177 = tpu.memref_slice %arg8[%run_scoped3A_117, %dma_start3A_175, %dma_start3A_176] : memref<4x128x128xf32, #tpu.memory_space<vmem>> -> memref<1x128x128xf32, #tpu.memory_space<vmem>>
        %dma_start3A_178 = tpu.memref_squeeze %dma_start3A_177 : memref<1x128x128xf32, #tpu.memory_space<vmem>> -> memref<128x128xf32, #tpu.memory_space<vmem>>
        %dma_start3A_179 = arith.constant 0 : i32
        %dma_start3A_180 = tpu.memref_slice %arg5[%add3A_116, %dma_start3A_179] : memref<204800x128xf32, #tpu.memory_space<hbm>> -> memref<128x128xf32, #tpu.memory_space<hbm>>
        %dma_start3A_181 = arith.constant 0 : i32
        %dma_start3A_182 = tpu.memref_slice %arg5[%add3A_116, %dma_start3A_181] : memref<204800x128xf32, #tpu.memory_space<hbm>> -> memref<128x128xf32, #tpu.memory_space<hbm>>
        %dma_start3A_183 = arith.constant 0 : i32
        %dma_start3A_184 = arith.constant 0 : i32
        %dma_start3A_185 = tpu.memref_slice %arg8[%run_scoped3A_117, %dma_start3A_183, %dma_start3A_184] : memref<4x128x128xf32, #tpu.memory_space<vmem>> -> memref<1x128x128xf32, #tpu.memory_space<vmem>>
        %dma_start3A_186 = tpu.memref_squeeze %dma_start3A_185 : memref<1x128x128xf32, #tpu.memory_space<vmem>> -> memref<128x128xf32, #tpu.memory_space<vmem>>
        tpu.enqueue_dma source(%dma_start3A_186 : memref<128x128xf32, #tpu.memory_space<vmem>>) target(%dma_start3A_182 : memref<128x128xf32, #tpu.memory_space<hbm>>) target_semaphore(%run_scoped3A_174 : memref<!tpu.dma_semaphore, #tpu.memory_space<semaphore_mem>>)
        %dma_wait3A_187 = arith.constant 0 : i32
        %dma_wait3A_188 = arith.constant 0 : i32
        %dma_wait3A_189 = tpu.memref_slice %arg8[%run_scoped3A_117, %dma_wait3A_187, %dma_wait3A_188] : memref<4x128x128xf32, #tpu.memory_space<vmem>> -> memref<1x128x128xf32, #tpu.memory_space<vmem>>
        %dma_wait3A_190 = tpu.memref_squeeze %dma_wait3A_189 : memref<1x128x128xf32, #tpu.memory_space<vmem>> -> memref<128x128xf32, #tpu.memory_space<vmem>>
        %dma_wait3A_191 = arith.constant 0 : i32
        %dma_wait3A_192 = tpu.memref_slice %arg5[%add3A_116, %dma_wait3A_191] : memref<204800x128xf32, #tpu.memory_space<hbm>> -> memref<128x128xf32, #tpu.memory_space<hbm>>
        %dma_wait3A_193 = arith.constant 0 : i32
        %dma_wait3A_194 = tpu.memref_slice %arg5[%add3A_116, %dma_wait3A_193] : memref<204800x128xf32, #tpu.memory_space<hbm>> -> memref<128x128xf32, #tpu.memory_space<hbm>>
        %dma_wait3A_195 = arith.constant 0 : i32
        %dma_wait3A_196 = arith.constant 0 : i32
        %dma_wait3A_197 = tpu.memref_slice %arg8[%run_scoped3A_117, %dma_wait3A_195, %dma_wait3A_196] : memref<4x128x128xf32, #tpu.memory_space<vmem>> -> memref<1x128x128xf32, #tpu.memory_space<vmem>>
        %dma_wait3A_198 = tpu.memref_squeeze %dma_wait3A_197 : memref<1x128x128xf32, #tpu.memory_space<vmem>> -> memref<128x128xf32, #tpu.memory_space<vmem>>
        tpu.wait_dma2 semaphore(%run_scoped3A_174 : memref<!tpu.dma_semaphore, #tpu.memory_space<semaphore_mem>>) src(%dma_wait3A_198 : memref<128x128xf32, #tpu.memory_space<vmem>>) dst(%dma_wait3A_194 : memref<128x128xf32, #tpu.memory_space<hbm>>)
        tpu.yield
      }) : () -> ()
      %mul3A_118 = arith.constant 4 : i32
      %mul3A_119 = arith.muli %mul3A_118, %scan3A_63 : i32
      %add3A_120 = arith.constant 2 : i32
      %add3A_121 = arith.addi %mul3A_119, %add3A_120 : i32
      %add3A_122 = arith.constant 4 : i32
      %add3A_123 = arith.addi %add3A_121, %add3A_122 : i32
      %sub3A_124 = arith.constant 1 : i32
      %sub3A_125 = arith.subi %add3A_123, %sub3A_124 : i32
      %lt3A_126 = arith.constant 50 : i32
      %lt3A_127 = arith.cmpi slt, %sub3A_125, %lt3A_126 : i32
      %convert_element_type3A_128 = arith.extui %lt3A_127 : i1 to i32
      %cond3A_129 = arith.constant 0 : i32
      %cond3A_130 = arith.cmpi ne, %convert_element_type3A_128, %cond3A_129 : i32
      scf.if %cond3A_130 {
        %add3A_174 = arith.constant 4 : i32
        %add3A_175 = arith.addi %add3A_121, %add3A_174 : i32
        %sub3A_176 = arith.constant 1 : i32
        %sub3A_177 = arith.subi %add3A_175, %sub3A_176 : i32
        %add3A_178 = arith.constant 4 : i32
        %add3A_179 = arith.addi %add3A_121, %add3A_178 : i32
        %sub3A_180 = arith.constant 1 : i32
        %sub3A_181 = arith.subi %add3A_179, %sub3A_180 : i32
        %jit3A = arith.constant 4 : i32
        %eq3A_182 = arith.constant 0 : i32
        %eq3A_183 = arith.cmpi eq, %jit3A, %eq3A_182 : i32
        %jit3A_184 = arith.constant 1 : i32
        %select_n3A = arith.select %eq3A_183, %jit3A_184, %jit3A : i32
        %rem3A = arith.remsi %sub3A_181, %select_n3A : i32
        %ne3A = arith.constant 0 : i32
        %ne3A_185 = arith.cmpi ne, %rem3A, %ne3A : i32
        %lt3A_186 = arith.constant 0 : i32
        %lt3A_187 = arith.cmpi slt, %rem3A, %lt3A_186 : i32
        %lt3A_188 = arith.constant 0 : i32
        %lt3A_189 = arith.cmpi slt, %select_n3A, %lt3A_188 : i32
        %ne3A_190 = arith.xori %lt3A_187, %lt3A_189 : i1
        %and3A = arith.andi %ne3A_190, %ne3A_185 : i1
        %add3A_191 = arith.addi %rem3A, %select_n3A : i32
        %select_n3A_192 = arith.select %and3A, %add3A_191, %rem3A : i32
        %mul3A_193 = arith.constant 128 : i32
        %mul3A_194 = arith.muli %sub3A_177, %mul3A_193 : i32
        %dma_start3A_195 = arith.constant 0 : i32
        %dma_start3A_196 = arith.constant 0 : i32
        %dma_start3A_197 = tpu.memref_slice %arg8[%select_n3A_192, %dma_start3A_195, %dma_start3A_196] : memref<4x128x128xf32, #tpu.memory_space<vmem>> -> memref<1x128x128xf32, #tpu.memory_space<vmem>>
        %dma_start3A_198 = tpu.memref_squeeze %dma_start3A_197 : memref<1x128x128xf32, #tpu.memory_space<vmem>> -> memref<128x128xf32, #tpu.memory_space<vmem>>
        %dma_start3A_199 = tpu.memref_slice %arg7[%mul3A_194] : memref<6400xi32, #tpu.memory_space<vmem>> -> memref<128xi32, #tpu.memory_space<vmem>>
        %dma_start3A_200 = arith.constant 0 : i32
        %dma_start3A_201 = arith.constant 0 : i32
        %dma_start3A_202 = tpu.memref_slice %arg2[%dma_start3A_200, %dma_start3A_201] : memref<503808x128xf32, #tpu.memory_space<hbm>> -> memref<503808x128xf32, #tpu.memory_space<hbm>>
        tpu.enqueue_indirect_dma source(%dma_start3A_202 : memref<503808x128xf32, #tpu.memory_space<hbm>>) target(%dma_start3A_198 : memref<128x128xf32, #tpu.memory_space<vmem>>) offsets(%dma_start3A_199 : memref<128xi32, #tpu.memory_space<vmem>>) semaphore(%arg11 : memref<!tpu.dma_semaphore, #tpu.memory_space<semaphore_mem>>)
      } else {
      }
      %mul3A_131 = arith.constant 128 : i32
      %mul3A_132 = arith.muli %add3A_121, %mul3A_131 : i32
      %dma_wait3A_133 = arith.constant 2 : i32
      %dma_wait3A_134 = arith.constant 0 : i32
      %dma_wait3A_135 = arith.constant 0 : i32
      %dma_wait3A_136 = tpu.memref_slice %arg8[%dma_wait3A_133, %dma_wait3A_134, %dma_wait3A_135] : memref<4x128x128xf32, #tpu.memory_space<vmem>> -> memref<1x128x128xf32, #tpu.memory_space<vmem>>
      %dma_wait3A_137 = tpu.memref_squeeze %dma_wait3A_136 : memref<1x128x128xf32, #tpu.memory_space<vmem>> -> memref<128x128xf32, #tpu.memory_space<vmem>>
      %dma_wait3A_138 = tpu.memref_slice %arg7[%mul3A_132] : memref<6400xi32, #tpu.memory_space<vmem>> -> memref<128xi32, #tpu.memory_space<vmem>>
      %dma_wait3A_139 = arith.constant 0 : i32
      %dma_wait3A_140 = arith.constant 0 : i32
      %dma_wait3A_141 = tpu.memref_slice %arg2[%dma_wait3A_139, %dma_wait3A_140] : memref<503808x128xf32, #tpu.memory_space<hbm>> -> memref<503808x128xf32, #tpu.memory_space<hbm>>
      tpu.wait_indirect_dma semaphore(%arg11 : memref<!tpu.dma_semaphore, #tpu.memory_space<semaphore_mem>>) src(%dma_wait3A_141 : memref<503808x128xf32, #tpu.memory_space<hbm>>) dst(%dma_wait3A_137 : memref<128x128xf32, #tpu.memory_space<vmem>>)
      %mul3A_142 = arith.constant 128 : i32
      %mul3A_143 = arith.muli %add3A_121, %mul3A_142 : i32
      %add3A_144 = arith.addi %mul3A_2, %mul3A_143 : i32
      %run_scoped3A_145 = arith.constant 2 : i32
      "tpu.region"() ({
        %run_scoped3A_174 = tpu.sem_alloc : memref<!tpu.dma_semaphore, #tpu.memory_space<semaphore_mem>>
        %dma_start3A_175 = arith.constant 0 : i32
        %dma_start3A_176 = arith.constant 0 : i32
        %dma_start3A_177 = tpu.memref_slice %arg8[%run_scoped3A_145, %dma_start3A_175, %dma_start3A_176] : memref<4x128x128xf32, #tpu.memory_space<vmem>> -> memref<1x128x128xf32, #tpu.memory_space<vmem>>
        %dma_start3A_178 = tpu.memref_squeeze %dma_start3A_177 : memref<1x128x128xf32, #tpu.memory_space<vmem>> -> memref<128x128xf32, #tpu.memory_space<vmem>>
        %dma_start3A_179 = arith.constant 0 : i32
        %dma_start3A_180 = tpu.memref_slice %arg5[%add3A_144, %dma_start3A_179] : memref<204800x128xf32, #tpu.memory_space<hbm>> -> memref<128x128xf32, #tpu.memory_space<hbm>>
        %dma_start3A_181 = arith.constant 0 : i32
        %dma_start3A_182 = tpu.memref_slice %arg5[%add3A_144, %dma_start3A_181] : memref<204800x128xf32, #tpu.memory_space<hbm>> -> memref<128x128xf32, #tpu.memory_space<hbm>>
        %dma_start3A_183 = arith.constant 0 : i32
        %dma_start3A_184 = arith.constant 0 : i32
        %dma_start3A_185 = tpu.memref_slice %arg8[%run_scoped3A_145, %dma_start3A_183, %dma_start3A_184] : memref<4x128x128xf32, #tpu.memory_space<vmem>> -> memref<1x128x128xf32, #tpu.memory_space<vmem>>
        %dma_start3A_186 = tpu.memref_squeeze %dma_start3A_185 : memref<1x128x128xf32, #tpu.memory_space<vmem>> -> memref<128x128xf32, #tpu.memory_space<vmem>>
        tpu.enqueue_dma source(%dma_start3A_186 : memref<128x128xf32, #tpu.memory_space<vmem>>) target(%dma_start3A_182 : memref<128x128xf32, #tpu.memory_space<hbm>>) target_semaphore(%run_scoped3A_174 : memref<!tpu.dma_semaphore, #tpu.memory_space<semaphore_mem>>)
        %dma_wait3A_187 = arith.constant 0 : i32
        %dma_wait3A_188 = arith.constant 0 : i32
        %dma_wait3A_189 = tpu.memref_slice %arg8[%run_scoped3A_145, %dma_wait3A_187, %dma_wait3A_188] : memref<4x128x128xf32, #tpu.memory_space<vmem>> -> memref<1x128x128xf32, #tpu.memory_space<vmem>>
        %dma_wait3A_190 = tpu.memref_squeeze %dma_wait3A_189 : memref<1x128x128xf32, #tpu.memory_space<vmem>> -> memref<128x128xf32, #tpu.memory_space<vmem>>
        %dma_wait3A_191 = arith.constant 0 : i32
        %dma_wait3A_192 = tpu.memref_slice %arg5[%add3A_144, %dma_wait3A_191] : memref<204800x128xf32, #tpu.memory_space<hbm>> -> memref<128x128xf32, #tpu.memory_space<hbm>>
        %dma_wait3A_193 = arith.constant 0 : i32
        %dma_wait3A_194 = tpu.memref_slice %arg5[%add3A_144, %dma_wait3A_193] : memref<204800x128xf32, #tpu.memory_space<hbm>> -> memref<128x128xf32, #tpu.memory_space<hbm>>
        %dma_wait3A_195 = arith.constant 0 : i32
        %dma_wait3A_196 = arith.constant 0 : i32
        %dma_wait3A_197 = tpu.memref_slice %arg8[%run_scoped3A_145, %dma_wait3A_195, %dma_wait3A_196] : memref<4x128x128xf32, #tpu.memory_space<vmem>> -> memref<1x128x128xf32, #tpu.memory_space<vmem>>
        %dma_wait3A_198 = tpu.memref_squeeze %dma_wait3A_197 : memref<1x128x128xf32, #tpu.memory_space<vmem>> -> memref<128x128xf32, #tpu.memory_space<vmem>>
        tpu.wait_dma2 semaphore(%run_scoped3A_174 : memref<!tpu.dma_semaphore, #tpu.memory_space<semaphore_mem>>) src(%dma_wait3A_198 : memref<128x128xf32, #tpu.memory_space<vmem>>) dst(%dma_wait3A_194 : memref<128x128xf32, #tpu.memory_space<hbm>>)
        tpu.yield
      }) : () -> ()
      %mul3A_146 = arith.constant 4 : i32
      %mul3A_147 = arith.muli %mul3A_146, %scan3A_63 : i32
      %add3A_148 = arith.constant 3 : i32
      %add3A_149 = arith.addi %mul3A_147, %add3A_148 : i32
      %add3A_150 = arith.constant 4 : i32
      %add3A_151 = arith.addi %add3A_149, %add3A_150 : i32
      %sub3A_152 = arith.constant 1 : i32
      %sub3A_153 = arith.subi %add3A_151, %sub3A_152 : i32
      %lt3A_154 = arith.constant 50 : i32
      %lt3A_155 = arith.cmpi slt, %sub3A_153, %lt3A_154 : i32
      %convert_element_type3A_156 = arith.extui %lt3A_155 : i1 to i32
      %cond3A_157 = arith.constant 0 : i32
      %cond3A_158 = arith.cmpi ne, %convert_element_type3A_156, %cond3A_157 : i32
      scf.if %cond3A_158 {
        %add3A_174 = arith.constant 4 : i32
        %add3A_175 = arith.addi %add3A_149, %add3A_174 : i32
        %sub3A_176 = arith.constant 1 : i32
        %sub3A_177 = arith.subi %add3A_175, %sub3A_176 : i32
        %add3A_178 = arith.constant 4 : i32
        %add3A_179 = arith.addi %add3A_149, %add3A_178 : i32
        %sub3A_180 = arith.constant 1 : i32
        %sub3A_181 = arith.subi %add3A_179, %sub3A_180 : i32
        %jit3A = arith.constant 4 : i32
        %eq3A_182 = arith.constant 0 : i32
        %eq3A_183 = arith.cmpi eq, %jit3A, %eq3A_182 : i32
        %jit3A_184 = arith.constant 1 : i32
        %select_n3A = arith.select %eq3A_183, %jit3A_184, %jit3A : i32
        %rem3A = arith.remsi %sub3A_181, %select_n3A : i32
        %ne3A = arith.constant 0 : i32
        %ne3A_185 = arith.cmpi ne, %rem3A, %ne3A : i32
        %lt3A_186 = arith.constant 0 : i32
        %lt3A_187 = arith.cmpi slt, %rem3A, %lt3A_186 : i32
        %lt3A_188 = arith.constant 0 : i32
        %lt3A_189 = arith.cmpi slt, %select_n3A, %lt3A_188 : i32
        %ne3A_190 = arith.xori %lt3A_187, %lt3A_189 : i1
        %and3A = arith.andi %ne3A_190, %ne3A_185 : i1
        %add3A_191 = arith.addi %rem3A, %select_n3A : i32
        %select_n3A_192 = arith.select %and3A, %add3A_191, %rem3A : i32
        %mul3A_193 = arith.constant 128 : i32
        %mul3A_194 = arith.muli %sub3A_177, %mul3A_193 : i32
        %dma_start3A_195 = arith.constant 0 : i32
        %dma_start3A_196 = arith.constant 0 : i32
        %dma_start3A_197 = tpu.memref_slice %arg8[%select_n3A_192, %dma_start3A_195, %dma_start3A_196] : memref<4x128x128xf32, #tpu.memory_space<vmem>> -> memref<1x128x128xf32, #tpu.memory_space<vmem>>
        %dma_start3A_198 = tpu.memref_squeeze %dma_start3A_197 : memref<1x128x128xf32, #tpu.memory_space<vmem>> -> memref<128x128xf32, #tpu.memory_space<vmem>>
        %dma_start3A_199 = tpu.memref_slice %arg7[%mul3A_194] : memref<6400xi32, #tpu.memory_space<vmem>> -> memref<128xi32, #tpu.memory_space<vmem>>
        %dma_start3A_200 = arith.constant 0 : i32
        %dma_start3A_201 = arith.constant 0 : i32
        %dma_start3A_202 = tpu.memref_slice %arg2[%dma_start3A_200, %dma_start3A_201] : memref<503808x128xf32, #tpu.memory_space<hbm>> -> memref<503808x128xf32, #tpu.memory_space<hbm>>
        tpu.enqueue_indirect_dma source(%dma_start3A_202 : memref<503808x128xf32, #tpu.memory_space<hbm>>) target(%dma_start3A_198 : memref<128x128xf32, #tpu.memory_space<vmem>>) offsets(%dma_start3A_199 : memref<128xi32, #tpu.memory_space<vmem>>) semaphore(%arg11 : memref<!tpu.dma_semaphore, #tpu.memory_space<semaphore_mem>>)
      } else {
      }
      %mul3A_159 = arith.constant 128 : i32
      %mul3A_160 = arith.muli %add3A_149, %mul3A_159 : i32
      %dma_wait3A_161 = arith.constant 3 : i32
      %dma_wait3A_162 = arith.constant 0 : i32
      %dma_wait3A_163 = arith.constant 0 : i32
      %dma_wait3A_164 = tpu.memref_slice %arg8[%dma_wait3A_161, %dma_wait3A_162, %dma_wait3A_163] : memref<4x128x128xf32, #tpu.memory_space<vmem>> -> memref<1x128x128xf32, #tpu.memory_space<vmem>>
      %dma_wait3A_165 = tpu.memref_squeeze %dma_wait3A_164 : memref<1x128x128xf32, #tpu.memory_space<vmem>> -> memref<128x128xf32, #tpu.memory_space<vmem>>
      %dma_wait3A_166 = tpu.memref_slice %arg7[%mul3A_160] : memref<6400xi32, #tpu.memory_space<vmem>> -> memref<128xi32, #tpu.memory_space<vmem>>
      %dma_wait3A_167 = arith.constant 0 : i32
      %dma_wait3A_168 = arith.constant 0 : i32
      %dma_wait3A_169 = tpu.memref_slice %arg2[%dma_wait3A_167, %dma_wait3A_168] : memref<503808x128xf32, #tpu.memory_space<hbm>> -> memref<503808x128xf32, #tpu.memory_space<hbm>>
      tpu.wait_indirect_dma semaphore(%arg11 : memref<!tpu.dma_semaphore, #tpu.memory_space<semaphore_mem>>) src(%dma_wait3A_169 : memref<503808x128xf32, #tpu.memory_space<hbm>>) dst(%dma_wait3A_165 : memref<128x128xf32, #tpu.memory_space<vmem>>)
      %mul3A_170 = arith.constant 128 : i32
      %mul3A_171 = arith.muli %add3A_149, %mul3A_170 : i32
      %add3A_172 = arith.addi %mul3A_2, %mul3A_171 : i32
      %run_scoped3A_173 = arith.constant 3 : i32
      "tpu.region"() ({
        %run_scoped3A_174 = tpu.sem_alloc : memref<!tpu.dma_semaphore, #tpu.memory_space<semaphore_mem>>
        %dma_start3A_175 = arith.constant 0 : i32
        %dma_start3A_176 = arith.constant 0 : i32
        %dma_start3A_177 = tpu.memref_slice %arg8[%run_scoped3A_173, %dma_start3A_175, %dma_start3A_176] : memref<4x128x128xf32, #tpu.memory_space<vmem>> -> memref<1x128x128xf32, #tpu.memory_space<vmem>>
        %dma_start3A_178 = tpu.memref_squeeze %dma_start3A_177 : memref<1x128x128xf32, #tpu.memory_space<vmem>> -> memref<128x128xf32, #tpu.memory_space<vmem>>
        %dma_start3A_179 = arith.constant 0 : i32
        %dma_start3A_180 = tpu.memref_slice %arg5[%add3A_172, %dma_start3A_179] : memref<204800x128xf32, #tpu.memory_space<hbm>> -> memref<128x128xf32, #tpu.memory_space<hbm>>
        %dma_start3A_181 = arith.constant 0 : i32
        %dma_start3A_182 = tpu.memref_slice %arg5[%add3A_172, %dma_start3A_181] : memref<204800x128xf32, #tpu.memory_space<hbm>> -> memref<128x128xf32, #tpu.memory_space<hbm>>
        %dma_start3A_183 = arith.constant 0 : i32
        %dma_start3A_184 = arith.constant 0 : i32
        %dma_start3A_185 = tpu.memref_slice %arg8[%run_scoped3A_173, %dma_start3A_183, %dma_start3A_184] : memref<4x128x128xf32, #tpu.memory_space<vmem>> -> memref<1x128x128xf32, #tpu.memory_space<vmem>>
        %dma_start3A_186 = tpu.memref_squeeze %dma_start3A_185 : memref<1x128x128xf32, #tpu.memory_space<vmem>> -> memref<128x128xf32, #tpu.memory_space<vmem>>
        tpu.enqueue_dma source(%dma_start3A_186 : memref<128x128xf32, #tpu.memory_space<vmem>>) target(%dma_start3A_182 : memref<128x128xf32, #tpu.memory_space<hbm>>) target_semaphore(%run_scoped3A_174 : memref<!tpu.dma_semaphore, #tpu.memory_space<semaphore_mem>>)
        %dma_wait3A_187 = arith.constant 0 : i32
        %dma_wait3A_188 = arith.constant 0 : i32
        %dma_wait3A_189 = tpu.memref_slice %arg8[%run_scoped3A_173, %dma_wait3A_187, %dma_wait3A_188] : memref<4x128x128xf32, #tpu.memory_space<vmem>> -> memref<1x128x128xf32, #tpu.memory_space<vmem>>
        %dma_wait3A_190 = tpu.memref_squeeze %dma_wait3A_189 : memref<1x128x128xf32, #tpu.memory_space<vmem>> -> memref<128x128xf32, #tpu.memory_space<vmem>>
        %dma_wait3A_191 = arith.constant 0 : i32
        %dma_wait3A_192 = tpu.memref_slice %arg5[%add3A_172, %dma_wait3A_191] : memref<204800x128xf32, #tpu.memory_space<hbm>> -> memref<128x128xf32, #tpu.memory_space<hbm>>
        %dma_wait3A_193 = arith.constant 0 : i32
        %dma_wait3A_194 = tpu.memref_slice %arg5[%add3A_172, %dma_wait3A_193] : memref<204800x128xf32, #tpu.memory_space<hbm>> -> memref<128x128xf32, #tpu.memory_space<hbm>>
        %dma_wait3A_195 = arith.constant 0 : i32
        %dma_wait3A_196 = arith.constant 0 : i32
        %dma_wait3A_197 = tpu.memref_slice %arg8[%run_scoped3A_173, %dma_wait3A_195, %dma_wait3A_196] : memref<4x128x128xf32, #tpu.memory_space<vmem>> -> memref<1x128x128xf32, #tpu.memory_space<vmem>>
        %dma_wait3A_198 = tpu.memref_squeeze %dma_wait3A_197 : memref<1x128x128xf32, #tpu.memory_space<vmem>> -> memref<128x128xf32, #tpu.memory_space<vmem>>
        tpu.wait_dma2 semaphore(%run_scoped3A_174 : memref<!tpu.dma_semaphore, #tpu.memory_space<semaphore_mem>>) src(%dma_wait3A_198 : memref<128x128xf32, #tpu.memory_space<vmem>>) dst(%dma_wait3A_194 : memref<128x128xf32, #tpu.memory_space<hbm>>)
        tpu.yield
      }) : () -> ()
    }
    %scan3A_38 = arith.constant 12 : i32
    %dma_wait3A = arith.constant 0 : i32
    %dma_wait3A_39 = arith.constant 0 : i32
    %dma_wait3A_40 = arith.constant 0 : i32
    %dma_wait3A_41 = tpu.memref_slice %arg8[%dma_wait3A, %dma_wait3A_39, %dma_wait3A_40] : memref<4x128x128xf32, #tpu.memory_space<vmem>> -> memref<1x128x128xf32, #tpu.memory_space<vmem>>
    %dma_wait3A_42 = tpu.memref_squeeze %dma_wait3A_41 : memref<1x128x128xf32, #tpu.memory_space<vmem>> -> memref<128x128xf32, #tpu.memory_space<vmem>>
    %dma_wait3A_43 = arith.constant 6144 : i32
    %dma_wait3A_44 = tpu.memref_slice %arg7[%dma_wait3A_43] : memref<6400xi32, #tpu.memory_space<vmem>> -> memref<128xi32, #tpu.memory_space<vmem>>
    %dma_wait3A_45 = arith.constant 0 : i32
    %dma_wait3A_46 = arith.constant 0 : i32
    %dma_wait3A_47 = tpu.memref_slice %arg2[%dma_wait3A_45, %dma_wait3A_46] : memref<503808x128xf32, #tpu.memory_space<hbm>> -> memref<503808x128xf32, #tpu.memory_space<hbm>>
    tpu.wait_indirect_dma semaphore(%arg11 : memref<!tpu.dma_semaphore, #tpu.memory_space<semaphore_mem>>) src(%dma_wait3A_47 : memref<503808x128xf32, #tpu.memory_space<hbm>>) dst(%dma_wait3A_42 : memref<128x128xf32, #tpu.memory_space<vmem>>)
    %add3A_48 = arith.constant 6144 : i32
    %add3A_49 = arith.addi %mul3A_2, %add3A_48 : i32
    %run_scoped3A = arith.constant 0 : i32
    "tpu.region"() ({
      %run_scoped3A_63 = tpu.sem_alloc : memref<!tpu.dma_semaphore, #tpu.memory_space<semaphore_mem>>
      %dma_start3A_64 = arith.constant 0 : i32
      %dma_start3A_65 = arith.constant 0 : i32
      %dma_start3A_66 = tpu.memref_slice %arg8[%run_scoped3A, %dma_start3A_64, %dma_start3A_65] : memref<4x128x128xf32, #tpu.memory_space<vmem>> -> memref<1x128x128xf32, #tpu.memory_space<vmem>>
      %dma_start3A_67 = tpu.memref_squeeze %dma_start3A_66 : memref<1x128x128xf32, #tpu.memory_space<vmem>> -> memref<128x128xf32, #tpu.memory_space<vmem>>
      %dma_start3A_68 = arith.constant 0 : i32
      %dma_start3A_69 = tpu.memref_slice %arg5[%add3A_49, %dma_start3A_68] : memref<204800x128xf32, #tpu.memory_space<hbm>> -> memref<128x128xf32, #tpu.memory_space<hbm>>
      %dma_start3A_70 = arith.constant 0 : i32
      %dma_start3A_71 = tpu.memref_slice %arg5[%add3A_49, %dma_start3A_70] : memref<204800x128xf32, #tpu.memory_space<hbm>> -> memref<128x128xf32, #tpu.memory_space<hbm>>
      %dma_start3A_72 = arith.constant 0 : i32
      %dma_start3A_73 = arith.constant 0 : i32
      %dma_start3A_74 = tpu.memref_slice %arg8[%run_scoped3A, %dma_start3A_72, %dma_start3A_73] : memref<4x128x128xf32, #tpu.memory_space<vmem>> -> memref<1x128x128xf32, #tpu.memory_space<vmem>>
      %dma_start3A_75 = tpu.memref_squeeze %dma_start3A_74 : memref<1x128x128xf32, #tpu.memory_space<vmem>> -> memref<128x128xf32, #tpu.memory_space<vmem>>
      tpu.enqueue_dma source(%dma_start3A_75 : memref<128x128xf32, #tpu.memory_space<vmem>>) target(%dma_start3A_71 : memref<128x128xf32, #tpu.memory_space<hbm>>) target_semaphore(%run_scoped3A_63 : memref<!tpu.dma_semaphore, #tpu.memory_space<semaphore_mem>>)
      %dma_wait3A_76 = arith.constant 0 : i32
      %dma_wait3A_77 = arith.constant 0 : i32
      %dma_wait3A_78 = tpu.memref_slice %arg8[%run_scoped3A, %dma_wait3A_76, %dma_wait3A_77] : memref<4x128x128xf32, #tpu.memory_space<vmem>> -> memref<1x128x128xf32, #tpu.memory_space<vmem>>
      %dma_wait3A_79 = tpu.memref_squeeze %dma_wait3A_78 : memref<1x128x128xf32, #tpu.memory_space<vmem>> -> memref<128x128xf32, #tpu.memory_space<vmem>>
      %dma_wait3A_80 = arith.constant 0 : i32
      %dma_wait3A_81 = tpu.memref_slice %arg5[%add3A_49, %dma_wait3A_80] : memref<204800x128xf32, #tpu.memory_space<hbm>> -> memref<128x128xf32, #tpu.memory_space<hbm>>
      %dma_wait3A_82 = arith.constant 0 : i32
      %dma_wait3A_83 = tpu.memref_slice %arg5[%add3A_49, %dma_wait3A_82] : memref<204800x128xf32, #tpu.memory_space<hbm>> -> memref<128x128xf32, #tpu.memory_space<hbm>>
      %dma_wait3A_84 = arith.constant 0 : i32
      %dma_wait3A_85 = arith.constant 0 : i32
      %dma_wait3A_86 = tpu.memref_slice %arg8[%run_scoped3A, %dma_wait3A_84, %dma_wait3A_85] : memref<4x128x128xf32, #tpu.memory_space<vmem>> -> memref<1x128x128xf32, #tpu.memory_space<vmem>>
      %dma_wait3A_87 = tpu.memref_squeeze %dma_wait3A_86 : memref<1x128x128xf32, #tpu.memory_space<vmem>> -> memref<128x128xf32, #tpu.memory_space<vmem>>
      tpu.wait_dma2 semaphore(%run_scoped3A_63 : memref<!tpu.dma_semaphore, #tpu.memory_space<semaphore_mem>>) src(%dma_wait3A_87 : memref<128x128xf32, #tpu.memory_space<vmem>>) dst(%dma_wait3A_83 : memref<128x128xf32, #tpu.memory_space<hbm>>)
      tpu.yield
    }) : () -> ()
    %dma_wait3A_50 = arith.constant 1 : i32
    %dma_wait3A_51 = arith.constant 0 : i32
    %dma_wait3A_52 = arith.constant 0 : i32
    %dma_wait3A_53 = tpu.memref_slice %arg8[%dma_wait3A_50, %dma_wait3A_51, %dma_wait3A_52] : memref<4x128x128xf32, #tpu.memory_space<vmem>> -> memref<1x128x128xf32, #tpu.memory_space<vmem>>
    %dma_wait3A_54 = tpu.memref_squeeze %dma_wait3A_53 : memref<1x128x128xf32, #tpu.memory_space<vmem>> -> memref<128x128xf32, #tpu.memory_space<vmem>>
    %dma_wait3A_55 = arith.constant 6272 : i32
    %dma_wait3A_56 = tpu.memref_slice %arg7[%dma_wait3A_55] : memref<6400xi32, #tpu.memory_space<vmem>> -> memref<128xi32, #tpu.memory_space<vmem>>
    %dma_wait3A_57 = arith.constant 0 : i32
    %dma_wait3A_58 = arith.constant 0 : i32
    %dma_wait3A_59 = tpu.memref_slice %arg2[%dma_wait3A_57, %dma_wait3A_58] : memref<503808x128xf32, #tpu.memory_space<hbm>> -> memref<503808x128xf32, #tpu.memory_space<hbm>>
    tpu.wait_indirect_dma semaphore(%arg11 : memref<!tpu.dma_semaphore, #tpu.memory_space<semaphore_mem>>) src(%dma_wait3A_59 : memref<503808x128xf32, #tpu.memory_space<hbm>>) dst(%dma_wait3A_54 : memref<128x128xf32, #tpu.memory_space<vmem>>)
    %add3A_60 = arith.constant 6272 : i32
    %add3A_61 = arith.addi %mul3A_2, %add3A_60 : i32
    %run_scoped3A_62 = arith.constant 1 : i32
    "tpu.region"() ({
      %run_scoped3A_63 = tpu.sem_alloc : memref<!tpu.dma_semaphore, #tpu.memory_space<semaphore_mem>>
      %dma_start3A_64 = arith.constant 0 : i32
      %dma_start3A_65 = arith.constant 0 : i32
      %dma_start3A_66 = tpu.memref_slice %arg8[%run_scoped3A_62, %dma_start3A_64, %dma_start3A_65] : memref<4x128x128xf32, #tpu.memory_space<vmem>> -> memref<1x128x128xf32, #tpu.memory_space<vmem>>
      %dma_start3A_67 = tpu.memref_squeeze %dma_start3A_66 : memref<1x128x128xf32, #tpu.memory_space<vmem>> -> memref<128x128xf32, #tpu.memory_space<vmem>>
      %dma_start3A_68 = arith.constant 0 : i32
      %dma_start3A_69 = tpu.memref_slice %arg5[%add3A_61, %dma_start3A_68] : memref<204800x128xf32, #tpu.memory_space<hbm>> -> memref<128x128xf32, #tpu.memory_space<hbm>>
      %dma_start3A_70 = arith.constant 0 : i32
      %dma_start3A_71 = tpu.memref_slice %arg5[%add3A_61, %dma_start3A_70] : memref<204800x128xf32, #tpu.memory_space<hbm>> -> memref<128x128xf32, #tpu.memory_space<hbm>>
      %dma_start3A_72 = arith.constant 0 : i32
      %dma_start3A_73 = arith.constant 0 : i32
      %dma_start3A_74 = tpu.memref_slice %arg8[%run_scoped3A_62, %dma_start3A_72, %dma_start3A_73] : memref<4x128x128xf32, #tpu.memory_space<vmem>> -> memref<1x128x128xf32, #tpu.memory_space<vmem>>
      %dma_start3A_75 = tpu.memref_squeeze %dma_start3A_74 : memref<1x128x128xf32, #tpu.memory_space<vmem>> -> memref<128x128xf32, #tpu.memory_space<vmem>>
      tpu.enqueue_dma source(%dma_start3A_75 : memref<128x128xf32, #tpu.memory_space<vmem>>) target(%dma_start3A_71 : memref<128x128xf32, #tpu.memory_space<hbm>>) target_semaphore(%run_scoped3A_63 : memref<!tpu.dma_semaphore, #tpu.memory_space<semaphore_mem>>)
      %dma_wait3A_76 = arith.constant 0 : i32
      %dma_wait3A_77 = arith.constant 0 : i32
      %dma_wait3A_78 = tpu.memref_slice %arg8[%run_scoped3A_62, %dma_wait3A_76, %dma_wait3A_77] : memref<4x128x128xf32, #tpu.memory_space<vmem>> -> memref<1x128x128xf32, #tpu.memory_space<vmem>>
      %dma_wait3A_79 = tpu.memref_squeeze %dma_wait3A_78 : memref<1x128x128xf32, #tpu.memory_space<vmem>> -> memref<128x128xf32, #tpu.memory_space<vmem>>
      %dma_wait3A_80 = arith.constant 0 : i32
      %dma_wait3A_81 = tpu.memref_slice %arg5[%add3A_61, %dma_wait3A_80] : memref<204800x128xf32, #tpu.memory_space<hbm>> -> memref<128x128xf32, #tpu.memory_space<hbm>>
      %dma_wait3A_82 = arith.constant 0 : i32
      %dma_wait3A_83 = tpu.memref_slice %arg5[%add3A_61, %dma_wait3A_82] : memref<204800x128xf32, #tpu.memory_space<hbm>> -> memref<128x128xf32, #tpu.memory_space<hbm>>
      %dma_wait3A_84 = arith.constant 0 : i32
      %dma_wait3A_85 = arith.constant 0 : i32
      %dma_wait3A_86 = tpu.memref_slice %arg8[%run_scoped3A_62, %dma_wait3A_84, %dma_wait3A_85] : memref<4x128x128xf32, #tpu.memory_space<vmem>> -> memref<1x128x128xf32, #tpu.memory_space<vmem>>
      %dma_wait3A_87 = tpu.memref_squeeze %dma_wait3A_86 : memref<1x128x128xf32, #tpu.memory_space<vmem>> -> memref<128x128xf32, #tpu.memory_space<vmem>>
      tpu.wait_dma2 semaphore(%run_scoped3A_63 : memref<!tpu.dma_semaphore, #tpu.memory_space<semaphore_mem>>) src(%dma_wait3A_87 : memref<128x128xf32, #tpu.memory_space<vmem>>) dst(%dma_wait3A_83 : memref<128x128xf32, #tpu.memory_space<hbm>>)
      tpu.yield
    }) : () -> ()
    return
  }
}

module attributes {stable_mosaic.version = 14 : i64} {
  func.func @_repack_body(%arg0: i32, %arg1: memref<64x4096xf32, #tpu.memory_space<vmem>>, %arg2: memref<64x4096xf32, #tpu.memory_space<vmem>>, %arg3: memref<4096x128xf32, #tpu.memory_space<vmem>>) attributes {dimension_semantics = [#tpu.dimension_semantics<arbitrary>], iteration_bounds = array<i64: 123>, scalar_prefetch = 0 : i64, scratch_operands = 0 : i64, tpu.core_type = #tpu.core_type<tc>, window_params = [{transform_indices = @transform_0, window_bounds = array<i64: 64, 4096>}, {transform_indices = @transform_1, window_bounds = array<i64: 64, 4096>}, {transform_indices = @transform_2, window_bounds = array<i64: 4096, 128>}]} {
    %iota3A = tpu.iota {dimensions = array<i32: 0>} : vector<64x64xi32>
    %iota3A_0 = tpu.iota {dimensions = array<i32: 1>} : vector<64x64xi32>
    %add3A = arith.constant 0 : i32
    %add3A_1 = vector.broadcast %add3A : i32 to vector<64x64xi32>
    %add3A_2 = arith.addi %iota3A, %add3A_1 : vector<64x64xi32>
    %eq3A = arith.cmpi eq, %add3A_2, %iota3A_0 : vector<64x64xi32>
    %convert_element_type3A = arith.extui %eq3A : vector<64x64xi1> to vector<64x64xi32>
    %convert_element_type3A_3 = arith.sitofp %convert_element_type3A : vector<64x64xi32> to vector<64x64xf32>
    %get3A = arith.constant 0 : index
    %get3A_4 = arith.constant 0 : index
    %get3A_5 = vector.load %arg1[%get3A, %get3A_4] : memref<64x4096xf32, #tpu.memory_space<vmem>>, vector<64x4096xf32>
    %dot_general3A = arith.constant dense<0.000000e+00> : vector<4096x64xf32>
    %dot_general3A_6 = tpu.matmul %get3A_5, %convert_element_type3A_3, %dot_general3A {dimension_numbers = #tpu.dot_dimension_numbers<[0], [0], [1], [1], [0, 1, 1, 1], [], []>, transpose_lhs_hint = false} : vector<64x4096xf32>, vector<64x64xf32>, vector<4096x64xf32> -> vector<4096x64xf32>
    %get3A_7 = arith.constant 0 : index
    %get3A_8 = arith.constant 0 : index
    %get3A_9 = vector.load %arg2[%get3A_7, %get3A_8] : memref<64x4096xf32, #tpu.memory_space<vmem>>, vector<64x4096xf32>
    %dot_general3A_10 = arith.constant dense<0.000000e+00> : vector<4096x64xf32>
    %dot_general3A_11 = tpu.matmul %get3A_9, %convert_element_type3A_3, %dot_general3A_10 {dimension_numbers = #tpu.dot_dimension_numbers<[0], [0], [1], [1], [0, 1, 1, 1], [], []>, transpose_lhs_hint = false} : vector<64x4096xf32>, vector<64x64xf32>, vector<4096x64xf32> -> vector<4096x64xf32>
    %concatenate3A = tpu.concatenate %dot_general3A_6, %dot_general3A_11 in 1 : vector<4096x64xf32>, vector<4096x64xf32> -> vector<4096x128xf32>
    %swap3A = arith.constant 0 : index
    %swap3A_12 = arith.constant 0 : index
    %swap3A_13 = vector.load %arg3[%swap3A, %swap3A_12] : memref<4096x128xf32, #tpu.memory_space<vmem>>, vector<4096x128xf32>
    tpu.vector_store %arg3[%swap3A, %swap3A_12], %concatenate3A {strides = array<i32>} : memref<4096x128xf32, #tpu.memory_space<vmem>>, vector<4096x128xf32>,
    return
  }
  func.func @transform_0(%arg0: i32) -> (i32, i32) {
    %mul3A = arith.constant 2 : i32
    %mul3A_0 = arith.muli %mul3A, %arg0 : i32
    %min3A = arith.constant 244 : i32
    %min3A_1 = arith.minsi %mul3A_0, %min3A : i32
    %c0_i32 = arith.constant 0 : i32
    %c0_i32_2 = arith.constant 0 : i32
    return %c0_i32, %min3A_1 : i32, i32
  }
  func.func @transform_1(%arg0: i32) -> (i32, i32) {
    %mul3A = arith.constant 2 : i32
    %mul3A_0 = arith.muli %mul3A, %arg0 : i32
    %add3A = arith.constant 1 : i32
    %add3A_1 = arith.addi %mul3A_0, %add3A : i32
    %min3A = arith.constant 244 : i32
    %min3A_2 = arith.minsi %add3A_1, %min3A : i32
    %c0_i32 = arith.constant 0 : i32
    %c0_i32_3 = arith.constant 0 : i32
    return %c0_i32, %min3A_2 : i32, i32
  }
  func.func @transform_2(%arg0: i32) -> (i32, i32) {
    %c0_i32 = arith.constant 0 : i32
    %c0_i32_0 = arith.constant 0 : i32
    return %arg0, %c0_i32 : i32, i32
  }
}

module attributes {stable_mosaic.version = 14 : i64} {
  func.func @_tc_body(%arg0: i32, %arg1: memref<3200x128xf32, #tpu.memory_space<vmem>>, %arg2: memref<3200x1xbf16, #tpu.memory_space<vmem>>, %arg3: memref<80x128xf32, #tpu.memory_space<vmem>>, %arg4: memref<80x1xi32, #tpu.memory_space<vmem>>, %arg5: memref<3200x64xf32, #tpu.memory_space<vmem>>, %arg6: memref<64x512xf32, #tpu.memory_space<vmem>>, %arg7: memref<1x512xf32, #tpu.memory_space<vmem>>, %arg8: memref<3200x512xf32, #tpu.memory_space<vmem>>) attributes {dimension_semantics = [#tpu.dimension_semantics<arbitrary>], iteration_bounds = array<i64: 64>, scalar_prefetch = 0 : i64, scratch_operands = 0 : i64, tpu.core_type = #tpu.core_type<tc>, window_params = [{transform_indices = @transform_0, window_bounds = array<i64: 3200, 128>}, {transform_indices = @transform_1, window_bounds = array<i64: 3200, 1>}, {pipeline_mode = #tpu.pipeline_mode<synchronous>, transform_indices = @transform_2, window_bounds = array<i64: 80, 128>}, {pipeline_mode = #tpu.pipeline_mode<synchronous>, transform_indices = @transform_3, window_bounds = array<i64: 80, 1>}, {pipeline_mode = #tpu.pipeline_mode<synchronous>, transform_indices = @transform_4, window_bounds = array<i64: 3200, 64>}, {pipeline_mode = #tpu.pipeline_mode<synchronous>, transform_indices = @transform_5, window_bounds = array<i64: 64, 512>}, {pipeline_mode = #tpu.pipeline_mode<synchronous>, transform_indices = @transform_6, window_bounds = array<i64: 1, 512>}, {transform_indices = @transform_7, window_bounds = array<i64: 3200, 512>}]} {
    %get3A = arith.constant 0 : index
    %get3A_0 = arith.constant 0 : index
    %get3A_1 = vector.load %arg4[%get3A, %get3A_0] : memref<80x1xi32, #tpu.memory_space<vmem>>, vector<80x1xi32>
    %and3A = arith.constant 1 : i32
    %and3A_2 = vector.broadcast %and3A : i32 to vector<80x1xi32>
    %and3A_3 = arith.andi %get3A_1, %and3A_2 : vector<80x1xi32>
    %convert_element_type3A = arith.sitofp %and3A_3 : vector<80x1xi32> to vector<80x1xf32>
    %get3A_4 = arith.constant 0 : index
    %get3A_5 = arith.constant 0 : index
    %get3A_6 = vector.load %arg3[%get3A_4, %get3A_5] : memref<80x128xf32, #tpu.memory_space<vmem>>, vector<80x128xf32>
    %slice3A = vector.extract_strided_slice %get3A_6 {offsets = [0, 0], sizes = [80, 64], strides = [1, 1]} : vector<80x128xf32> to vector<80x64xf32>
    %sub3A = arith.constant 1.000000e+00 : f32
    %sub3A_7 = vector.broadcast %sub3A : f32 to vector<80x1xf32>
    %sub3A_8 = arith.subf %sub3A_7, %convert_element_type3A : vector<80x1xf32>
    %mul3A = vector.broadcast %sub3A_8 : vector<80x1xf32> to vector<80x64xf32>
    %mul3A_9 = arith.mulf %slice3A, %mul3A : vector<80x64xf32>
    %slice3A_10 = vector.extract_strided_slice %get3A_6 {offsets = [0, 64], sizes = [80, 64], strides = [1, 1]} : vector<80x128xf32> to vector<80x64xf32>
    %mul3A_11 = vector.broadcast %convert_element_type3A : vector<80x1xf32> to vector<80x64xf32>
    %mul3A_12 = arith.mulf %slice3A_10, %mul3A_11 : vector<80x64xf32>
    %add3A = arith.addf %mul3A_9, %mul3A_12 : vector<80x64xf32>
    %slice3A_13 = vector.extract_strided_slice %add3A {offsets = [0, 0], sizes = [40, 64], strides = [1, 1]} : vector<80x64xf32> to vector<40x64xf32>
    %reduce_sum3A = arith.constant dense<0.000000e+00> : vector<64xf32>
    %reduce_sum3A_14 = vector.multi_reduction <add>, %slice3A_13, %reduce_sum3A [0] : vector<40x64xf32> to vector<64xf32>
    %broadcast_in_dim3A = vector.shape_cast %reduce_sum3A_14 : vector<64xf32> to vector<1x64xf32>
    %slice3A_15 = vector.extract_strided_slice %add3A {offsets = [40, 0], sizes = [40, 64], strides = [1, 1]} : vector<80x64xf32> to vector<40x64xf32>
    %reduce_sum3A_16 = arith.constant dense<0.000000e+00> : vector<64xf32>
    %reduce_sum3A_17 = vector.multi_reduction <add>, %slice3A_15, %reduce_sum3A_16 [0] : vector<40x64xf32> to vector<64xf32>
    %broadcast_in_dim3A_18 = vector.shape_cast %reduce_sum3A_17 : vector<64xf32> to vector<1x64xf32>
    %get3A_19 = arith.constant 0 : index
    %get3A_20 = arith.constant 0 : index
    %get3A_21 = vector.load %arg2[%get3A_19, %get3A_20] : memref<3200x1xbf16, #tpu.memory_space<vmem>>, vector<3200x1xbf16>
    %convert_element_type3A_22 = arith.extf %get3A_21 : vector<3200x1xbf16> to vector<3200x1xf32>
    %ge3A = arith.constant 1.600000e+01 : f32
    %ge3A_23 = vector.broadcast %ge3A : f32 to vector<3200x1xf32>
    %ge3A_24 = arith.cmpf oge, %convert_element_type3A_22, %ge3A_23 : vector<3200x1xf32>
    %convert_element_type3A_25 = arith.extui %ge3A_24 : vector<3200x1xi1> to vector<3200x1xi32>
    %convert_element_type3A_26 = arith.sitofp %convert_element_type3A_25 : vector<3200x1xi32> to vector<3200x1xf32>
    %mul3A_27 = arith.constant 1.600000e+01 : f32
    %mul3A_28 = vector.broadcast %mul3A_27 : f32 to vector<3200x1xf32>
    %mul3A_29 = arith.mulf %mul3A_28, %convert_element_type3A_26 : vector<3200x1xf32>
    %sub3A_30 = arith.subf %convert_element_type3A_22, %mul3A_29 : vector<3200x1xf32>
    %eq3A = arith.constant 2.000000e+00 : f32
    %eq3A_31 = vector.broadcast %eq3A : f32 to vector<3200x1xf32>
    %eq3A_32 = arith.cmpf oeq, %sub3A_30, %eq3A_31 : vector<3200x1xf32>
    %convert_element_type3A_33 = arith.extui %eq3A_32 : vector<3200x1xi1> to vector<3200x1xi32>
    %convert_element_type3A_34 = arith.sitofp %convert_element_type3A_33 : vector<3200x1xi32> to vector<3200x1xf32>
    %eq3A_35 = arith.constant 3.000000e+00 : f32
    %eq3A_36 = vector.broadcast %eq3A_35 : f32 to vector<3200x1xf32>
    %eq3A_37 = arith.cmpf oeq, %sub3A_30, %eq3A_36 : vector<3200x1xf32>
    %convert_element_type3A_38 = arith.extui %eq3A_37 : vector<3200x1xi1> to vector<3200x1xi32>
    %convert_element_type3A_39 = arith.sitofp %convert_element_type3A_38 : vector<3200x1xi32> to vector<3200x1xf32>
    %get3A_40 = arith.constant 0 : index
    %get3A_41 = arith.constant 0 : index
    %get3A_42 = vector.load %arg1[%get3A_40, %get3A_41] : memref<3200x128xf32, #tpu.memory_space<vmem>>, vector<3200x128xf32>
    %slice3A_43 = vector.extract_strided_slice %get3A_42 {offsets = [0, 0], sizes = [3200, 64], strides = [1, 1]} : vector<3200x128xf32> to vector<3200x64xf32>
    %sub3A_44 = arith.constant 1.000000e+00 : f32
    %sub3A_45 = vector.broadcast %sub3A_44 : f32 to vector<3200x1xf32>
    %sub3A_46 = arith.subf %sub3A_45, %convert_element_type3A_26 : vector<3200x1xf32>
    %mul3A_47 = vector.broadcast %sub3A_46 : vector<3200x1xf32> to vector<3200x64xf32>
    %mul3A_48 = arith.mulf %slice3A_43, %mul3A_47 : vector<3200x64xf32>
    %slice3A_49 = vector.extract_strided_slice %get3A_42 {offsets = [0, 64], sizes = [3200, 64], strides = [1, 1]} : vector<3200x128xf32> to vector<3200x64xf32>
    %mul3A_50 = vector.broadcast %convert_element_type3A_26 : vector<3200x1xf32> to vector<3200x64xf32>
    %mul3A_51 = arith.mulf %slice3A_49, %mul3A_50 : vector<3200x64xf32>
    %add3A_52 = arith.addf %mul3A_48, %mul3A_51 : vector<3200x64xf32>
    %mul3A_53 = arith.constant 8.000000e+00 : f32
    %mul3A_54 = vector.broadcast %mul3A_53 : f32 to vector<3200x64xf32>
    %mul3A_55 = arith.mulf %add3A_52, %mul3A_54 : vector<3200x64xf32>
    %mul3A_56 = vector.broadcast %convert_element_type3A_34 : vector<3200x1xf32> to vector<3200x64xf32>
    %mul3A_57 = vector.broadcast %broadcast_in_dim3A : vector<1x64xf32> to vector<3200x64xf32>
    %mul3A_58 = arith.mulf %mul3A_56, %mul3A_57 : vector<3200x64xf32>
    %add3A_59 = arith.addf %mul3A_55, %mul3A_58 : vector<3200x64xf32>
    %mul3A_60 = vector.broadcast %convert_element_type3A_39 : vector<3200x1xf32> to vector<3200x64xf32>
    %mul3A_61 = vector.broadcast %broadcast_in_dim3A_18 : vector<1x64xf32> to vector<3200x64xf32>
    %mul3A_62 = arith.mulf %mul3A_60, %mul3A_61 : vector<3200x64xf32>
    %add3A_63 = arith.addf %add3A_59, %mul3A_62 : vector<3200x64xf32>
    %get3A_64 = arith.constant 0 : index
    %get3A_65 = arith.constant 0 : index
    %get3A_66 = vector.load %arg5[%get3A_64, %get3A_65] : memref<3200x64xf32, #tpu.memory_space<vmem>>, vector<3200x64xf32>
    %add3A_67 = arith.addf %add3A_63, %get3A_66 : vector<3200x64xf32>
    %get3A_68 = arith.constant 0 : index
    %get3A_69 = arith.constant 0 : index
    %get3A_70 = vector.load %arg6[%get3A_68, %get3A_69] : memref<64x512xf32, #tpu.memory_space<vmem>>, vector<64x512xf32>
    %dot_general3A = arith.constant dense<0.000000e+00> : vector<3200x512xf32>
    %dot_general3A_71 = tpu.matmul %add3A_67, %get3A_70, %dot_general3A {dimension_numbers = #tpu.dot_dimension_numbers<[1], [0], [0], [1], [0, 0, 1, 1], [], []>, transpose_lhs_hint = false} : vector<3200x64xf32>, vector<64x512xf32>, vector<3200x512xf32> -> vector<3200x512xf32>
    %get3A_72 = arith.constant 0 : index
    %get3A_73 = arith.constant 0 : index
    %get3A_74 = vector.load %arg7[%get3A_72, %get3A_73] : memref<1x512xf32, #tpu.memory_space<vmem>>, vector<1x512xf32>
    %add3A_75 = vector.broadcast %get3A_74 : vector<1x512xf32> to vector<3200x512xf32>
    %add3A_76 = arith.addf %dot_general3A_71, %add3A_75 : vector<3200x512xf32>
    %swap3A = arith.constant 0 : index
    %swap3A_77 = arith.constant 0 : index
    %swap3A_78 = vector.load %arg8[%swap3A, %swap3A_77] : memref<3200x512xf32, #tpu.memory_space<vmem>>, vector<3200x512xf32>
    tpu.vector_store %arg8[%swap3A, %swap3A_77], %add3A_76 {strides = array<i32>} : memref<3200x512xf32, #tpu.memory_space<vmem>>, vector<3200x512xf32>,
    return
  }
  func.func @transform_0(%arg0: i32) -> (i32, i32) {
    %c0_i32 = arith.constant 0 : i32
    %c0_i32_0 = arith.constant 0 : i32
    return %arg0, %c0_i32 : i32, i32
  }
  func.func @transform_1(%arg0: i32) -> (i32, i32) {
    %c0_i32 = arith.constant 0 : i32
    %c0_i32_0 = arith.constant 0 : i32
    return %arg0, %c0_i32 : i32, i32
  }
  func.func @transform_2(%arg0: i32) -> (i32, i32) {
    %c0_i32 = arith.constant 0 : i32
    %c0_i32_0 = arith.constant 0 : i32
    %c0_i32_1 = arith.constant 0 : i32
    return %c0_i32, %c0_i32_0 : i32, i32
  }
  func.func @transform_3(%arg0: i32) -> (i32, i32) {
    %c0_i32 = arith.constant 0 : i32
    %c0_i32_0 = arith.constant 0 : i32
    %c0_i32_1 = arith.constant 0 : i32
    return %c0_i32, %c0_i32_0 : i32, i32
  }
  func.func @transform_4(%arg0: i32) -> (i32, i32) {
    %c0_i32 = arith.constant 0 : i32
    %c0_i32_0 = arith.constant 0 : i32
    %c0_i32_1 = arith.constant 0 : i32
    return %c0_i32, %c0_i32_0 : i32, i32
  }
  func.func @transform_5(%arg0: i32) -> (i32, i32) {
    %c0_i32 = arith.constant 0 : i32
    %c0_i32_0 = arith.constant 0 : i32
    %c0_i32_1 = arith.constant 0 : i32
    return %c0_i32, %c0_i32_0 : i32, i32
  }
  func.func @transform_6(%arg0: i32) -> (i32, i32) {
    %c0_i32 = arith.constant 0 : i32
    %c0_i32_0 = arith.constant 0 : i32
    %c0_i32_1 = arith.constant 0 : i32
    return %c0_i32, %c0_i32_0 : i32, i32
  }
  func.func @transform_7(%arg0: i32) -> (i32, i32) {
    %c0_i32 = arith.constant 0 : i32
    %c0_i32_0 = arith.constant 0 : i32
    return %arg0, %c0_i32 : i32, i32
  }
}

</mosaic_0001>

<sc_bundles>
// kernel: kernel.5.cloned.1.call-start
scs
__scs_entry_jumppad:
0x0: {  	(pc) =	sbr.rel $0x88, $3  }
0x1: {  	(tag) =	ssettag $0x0;
	lr =	simm.s32 $0x1  }
0x2: {  	[smem:$0x3F9A] =	sst lr;
	_ =	strace $0xD0000000  }
0x3: {  	_ = 	snop  }
0x4: {  	_ = 	snop  }
0x5: {  	_ = 	snop  }
0x6: {  	_ = 	snop  }
0x7: {  	_ = 	snop  }
__scs_overlays_trampoline_lowered:
0x8: {  	[smem:$0x3FA9] =	sst s0  }
0x9: {  	[smem:$0x3FAA] =	sst s1  }
0xa: {  	[smem:$0x3FAB] =	sst s2  }
0xb: {  	[smem:$0x3FAC] =	sst s3  }
0xc: {  	[smem:$0x3FAD] =	sst s4  }
0xd: {  	[smem:$0x3FAE] =	sst s5  }
0xe: {  	[smem:$0x3FAF] =	sst s6  }
0xf: {  	[smem:$0x3FB0] =	sst s7  }
0x10: {  	[smem:$0x3FB1] =	sst s8  }
0x11: {  	[smem:$0x3FB2] =	sst s9;
	s0 =	simm.s32 @!p0 $0x0  }
0x12: {  	s1 =	sld [smem:$0x3F98];
	s0 =	simm.s32 @p0 $0x1  }
0x13: {  	[smem:$0x3FB3] =	sst s0;
	s0 =	simm.s32 @!p1 $0x0  }
0x14: {  	s2 =	sld [smem:$0x3F97];
	s0 =	simm.s32 @p1 $0x1  }
0x15: {  	[smem:$0x3FB4] =	sst s0;
	s0 =	simm.s32 @!p2 $0x0  }
0x16: {  	s3 =	sld [smem:$0x3FDB];
	s0 =	simm.s32 @p2 $0x1  }
0x17: {  	s4 =	simm.s32 $0x1BF5;
	[smem:$0x3FB6] =	sst s0  }
0x18: {  	s0 =	sld [smem:$0x3F99];
	_ =	swait.ge [sflag:s4], $0x0  }
0x19: {  	s7 =	sld [smem:$0x3F9A]  }
0x1a: {  	s8 =	sadd.s32 $0xFFFFE003, lr  }
0x1b: {  	s9 =	sadd.s32 $0xFFFFFEF7, lr;
	s5 =	simm.s32 $0xFFFFFFFF;
	p2 =	slt.u32 s8, $0xFFFFF086  }
0x1c: {  	p1 =	slt.u32 s9, $0xF7A;
	s5 =	simm.s32 @!p2 $0x0  }
0x1d: {  	s5 =	simm.s32 @p1 $0x1;
	p0 =	seq.s32 s7, s2  }
0x1e: {  	s7 =	smul.u32 @!p0 $0xF7A, s2;
	p2 =	seq.s32 @!p0 s5, $0x0  }
0x1f: {  	s9 =	smul.u32 $0xF7A, s1;
	s8 =	simm.s32 @!p0 $0x1BF5;
	p2 =	por !p2, p0  }
0x20: {  	[sflag:s8] =	ssyncset.s32 @!p0 $0xFFFFF086;
	s6 =	sadd.s32 @!p0 s3, s7;
	s7 =	simm.s32 @!p0 $0x108  }
0x21: {  	s3 =	sadd.s32 s3, s9;
	s6 =	sadd.s32 @!p0 $0x88, s6;
	s7 =	simm.s32 @p2 $0x1082  }
0x22: {  	[simem:s7], [sflag:s8] =	dma.local @!p0 [hbm:s6], $0xF7A  }
0x23: {  	s9 =	sor.u32 $0xD0000000, s2;
	s6 =	simm.s32 $0x108;
	_ =	swait.ge @!p0 [sflag:s8], $0x0  }
0x24: {  	s3 =	sadd.s32 $0x88, s3;
	s6 =	simm.s32 @!p1 $0x1082;
	[sflag:s4] =	ssyncset.s32 $0xFFFFF086  }
0x25: {  	[simem:s6], [sflag:s4] =	dma.local [hbm:s3], $0xF7A  }
0x26: {  	[smem:$0x3F9A] =	sst s1;
	(tag) =	ssettag s2;
	_ =	strace s9  }
0x27: {  	s1 =	sld [smem:$0x3FAA]  }
0x28: {  	s2 =	sld [smem:$0x3FAB]  }
0x29: {  	s4 =	sld [smem:$0x3FAD]  }
0x2a: {  	p0 =	seq.s32 s5, $0x0;
	s5 =	sld [smem:$0x3FAE]  }
0x2b: {  	s6 =	sld [smem:$0x3FAF]  }
0x2c: {  	s7 =	sld [smem:$0x3FB0]  }
0x2d: {  	s3 =	simm.s32 $0x108;
	s8 =	sld [smem:$0x3FB1]  }
0x2e: {  	s3 =	simm.s32 @!p0 $0x1082;
	s9 =	sld [smem:$0x3FB2]  }
0x2f: {  	lr =	sadd.s32 s0, s3;
	s0 =	sld [smem:$0x3FA9]  }
0x30: {  	s3 =	sld [smem:$0x3FAC]  }
0x31: {  	[smem:$0x3FB5] =	sst s10  }
0x32: {  	s10 =	sld [smem:$0x3FB3];
	_ =	sdelay $0x3  }
0x33: {  	p0 =	seq.s32 s10, $0x1;
	s10 =	sld [smem:$0x3FB5];
	_ =	sdelay $0x3  }
0x34: {  	[smem:$0x3FB5] =	sst s10  }
0x35: {  	s10 =	sld [smem:$0x3FB4];
	_ =	sdelay $0x3  }
0x36: {  	p1 =	seq.s32 s10, $0x1;
	s10 =	sld [smem:$0x3FB5];
	_ =	sdelay $0x3  }
0x37: {  	[smem:$0x3FB5] =	sst s10  }
0x38: {  	s10 =	sld [smem:$0x3FB6]  }
0x39: {  	_ = 	snop;
	(pc) =	sbr.ind lr, $3  }
0x3a: {  	_ = 	snop  }
0x3b: {  	_ = 	snop  }
0x3c: {  	p2 =	seq.s32 s10, $0x1;
	s10 =	sld [smem:$0x3FB5]  }
0x3d: {  	_ =	shalt  }
0x3e: {  	_ =	shalt  }
0x3f: {  	_ =	shalt  }
0x40: {  	_ =	shalt  }
0x41: {  	_ =	shalt  }
0x42: {  	_ =	shalt  }
0x43: {  	_ =	shalt  }
0x44: {  	_ =	shalt  }
0x45: {  	_ =	shalt  }
0x46: {  	_ =	shalt  }
0x47: {  	_ =	shalt  }
0x48: {  	_ =	shalt  }
0x49: {  	_ =	shalt  }
0x4a: {  	_ =	shalt  }
0x4b: {  	_ =	shalt  }
0x4c: {  	_ =	shalt  }
0x4d: {  	_ =	shalt  }
0x4e: {  	_ =	shalt  }
0x4f: {  	_ =	shalt  }
0x50: {  	_ =	shalt  }
0x51: {  	_ =	shalt  }
0x52: {  	_ =	shalt  }
0x53: {  	_ =	shalt  }
0x54: {  	_ =	shalt  }
0x55: {  	_ =	shalt  }
0x56: {  	_ =	shalt  }
0x57: {  	_ =	shalt  }
0x58: {  	_ =	shalt  }
0x59: {  	_ =	shalt  }
0x5a: {  	_ =	shalt  }
0x5b: {  	_ =	shalt  }
0x5c: {  	_ =	shalt  }
0x5d: {  	_ =	shalt  }
0x5e: {  	_ =	shalt  }
0x5f: {  	_ =	shalt  }
0x60: {  	_ =	shalt  }
0x61: {  	_ =	shalt  }
0x62: {  	_ =	shalt  }
0x63: {  	_ =	shalt  }
0x64: {  	_ =	shalt  }
0x65: {  	_ =	shalt  }
0x66: {  	_ =	shalt  }
0x67: {  	_ =	shalt  }
0x68: {  	_ =	shalt  }
0x69: {  	_ =	shalt  }
0x6a: {  	_ =	shalt  }
0x6b: {  	_ =	shalt  }
0x6c: {  	_ =	shalt  }
0x6d: {  	_ =	shalt  }
0x6e: {  	_ =	shalt  }
0x6f: {  	_ =	shalt  }
0x70: {  	_ =	shalt  }
0x71: {  	_ =	shalt  }
0x72: {  	_ =	shalt  }
0x73: {  	_ =	shalt  }
0x74: {  	_ =	shalt  }
0x75: {  	_ =	shalt  }
0x76: {  	_ =	shalt  }
0x77: {  	_ =	shalt  }
0x78: {  	_ =	shalt  }
0x79: {  	_ =	shalt  }
0x7a: {  	_ =	shalt  }
0x7b: {  	_ =	shalt  }
0x7c: {  	_ =	shalt  }
0x7d: {  	_ =	shalt  }
0x7e: {  	_ =	shalt  }
0x7f: {  	_ =	shalt  }
0x80: {  	_ =	shalt  }
0x81: {  	_ =	shalt  }
0x82: {  	_ =	shalt  }
0x83: {  	_ =	shalt  }
0x84: {  	_ =	shalt  }
0x85: {  	_ =	shalt  }
0x86: {  	_ =	shalt  }
0x87: {  	_ =	shalt  }
.Lfunc_end0:
.L_simem_size_0:
called_computation_lowered:
.L_overlay_start_0:
0x88: {  	s2 =	sld [smem:$0x3FD9]  }
0x89: {  	s3 =	sld [smem:$0x3FFE];
	_ =	sdelay $0x1  }
0x8a: {  	s1 =	srdreg.scid  }
0x8b: {  	s0 =	sand.u32 $0x1, s1  }
0x8c: {  	s17 =	sshll.u32 s0, $0xA;
	s2 =	sadd.s32 s3, s2  }
0x8d: {  	s2 =	sadd.s32 s2, s17  }
0x8e: {  	[smem:$0x3FC1] =	sst s2  }
0x8f: {  	_ = 	snop  }
0x90: {  	s2 =	sld [smem:$0x3FD0];
	(tm) =	ssettm $0x1  }
0x91: {  	s18 =	sld [smem:$0x3FFB];
	_ =	sdelay $0x3  }
0x92: {  	_ =	strace s18  }
0x93: {  	s3 =	sld [smem:$0x3FFC];
	_ =	sdelay $0x3  }
0x94: {  	_ =	strace s3  }
0x95: {  	s3 =	sld [smem:$0x3FFD];
	_ =	sdelay $0x3  }
0x96: {  	_ =	strace s3  }
0x97: {  	_ =	strace $0x8FFFFFFF  }
0x98: {  	s19 =	sld [smem:$0x3FDB];
	_ =	sdelay $0x1  }
0x99: {  	s4 =	simm.s32 $_scs_section_size  }
0x9a: {  	s5 =	simm.s32 $_size__tile_overlayer_lowered;
	s6 =	simm.s32 $_tile_overlayer_lowered  }
0x9b: {  	s22 =	simm.s32 $0x1BFF;
	s21 =	sshll.u32 s6, $0x1;
	s3 =	sadd.s32 s4, s19  }
0x9c: {  	s7 =	simm.s32 $0x0;
	s20 =	sshll.u32 s5, $0x1;
	s5 =	sadd.s32 s21, s3  }
0x9d: {  	[timem:s7], [sflag:s22] =	dma.local [hbm:s5], s20  }
0x9e: {  	_ =	swait.ge [sflag:s22], s20  }
0x9f: {  	s4 =	ssub.s32 $0x0, s20;
	[sflag:s22] =	ssyncset.done $0x0  }
0xa0: {  	[sflag:s22] =	ssyncadd.s32 s4;
	_ =	sdelay $0x1  }
0xa1: {  	s23 =	simm.s32 $0x1B8B  }
0xa2: {  	_ =	swait.ge [sflag:s23], $0x1  }
0xa3: {  	[sflag:s23] =	ssyncset.done $0x0  }
0xa4: {  	s25 =	simm.s32 $0x1B8E;
	s24 =	sld [smem:$0x3FFE];
	[sflag:s23] =	ssyncadd.s32 $0xFFFFFFFF  }
0xa5: {  	s26 =	simm.s32 $execute0_lowered;
	[smem:$0x3FD2] =	sst s25  }
0xa6: {  	s5 =	sshll.u32 s26, $0x1;
	_ =	strace $0x80000046;
	[dreg:$0x1] =	wrdreg $0xFFFFFFFF  }
0xa7: {  	s28 =	simm.s32 $_size_execute0_lowered;
	s3 =	sadd.s32 s3, s5;
	[dreg:$0x0] =	wrdreg $0x0  }
0xa8: {  	s5 =	sshll.u32 s28, $0x1;
	[dreg:$0x2] =	wrdreg s3  }
0xa9: {  	[dreg:$0x3] =	wrdreg s5  }
0xaa: {  	[dreg:$0x4] =	wrdreg $0xC0  }
0xab: {  	_ =	task [dreg:s7], $0x5FFFF  }
0xac: {  	[dreg:$0x1] =	wrdreg $0xFFFFFFFF  }
0xad: {  	[dreg:$0x0] =	wrdreg $0x60  }
0xae: {  	[dreg:$0x2] =	wrdreg s2  }
0xaf: {  	[dreg:$0x3] =	wrdreg s24  }
0xb0: {  	[dreg:$0x4] =	wrdreg $0x9  }
0xb1: {  	_ =	task.clear_ibuf [dreg:s7], $0x5FFFF;
	_ =	strace $0x90000046  }
0xb2: {  	s29 =	simm.s32 $0x9;
	_ =	strace $0x80000048  }
0xb3: {  	_ =	swait.ge [sflag:s29], $0x1  }
0xb4: {  	[sflag:s29] =	ssyncadd.s32 $0xFFFFFFFF  }
0xb5: {  	_ =	strace $0x90000048  }
0xb6: {  	_ =	sfence  }
0xb7: {  	s30 =	sld [smem:$0x0];
	_ =	sdelay $0x2  }
0xb8: {  	s31 =	sshll.u32 s1, $0xD;
	s1 =	sshrl.u32 s1, $0x2  }
0xb9: {  	s3 =	sand.u32 $0x4000, s31;
	s1 =	sadd.s32 s1, s30  }
0xba: {  	s0 =	sor.u32 s3, s0;
	s1 =	sshll.u32 s1, $0x11  }
0xbb: {  	s0 =	sor.u32 s1, s0  }
0xbc: {  	s0 =	sadd.s32 $0x8F2B, s0  }
0xbd: {  	[sflag:s0] =	ssyncadd.remote.s32 $0x1  }
0xbe: {  	_ =	sfence.sel $0xFFFF  }
0xbf: {  	[dreg:$0x0] =	wrdreg $0xFFFFFFFF;
	(pc) =	sbr.abs _section_cstart, $3  }
0xc0: {  	[dreg:$0x1] =	wrdreg $0xFFFFFFFF  }
0xc1: {  	_ =	task.clear_ibuf [dreg:s7], $0x2FFFF;
	_ =	strace $0x9FFFFFFF  }
0xc2: {  	(tm) =	ssettm $0x7FFFFFFF  }
0xc3: {  	_ =	shalt  }
tec
execute0_lowered:
.L_overlay_start_1:
0x0: {  	(tag) =	ssettag $0x1  }
0x1: {  	s1 =	srdreg.scid;
	s2 =	rddreg [dreg:$0x0]  }
0x2: {  	s0 =	stileid.u32;
	s5 =	rddreg [dreg:$0x1];
	s3 =	simm.s32 $0x0  }
0x3: {  	s22 =	simm.s32 $0x9900;
	s23 =	simm.s32 $0xD900;
	s15 =	smul.u32 $0x190000, s0  }
0x4: {  	s24 =	simm.s32 $0x1;
	s14 =	sand.u32 $0x1, s1;
	s30 =	smul.u32 $0x32000, s0  }
0x5: {  	s28 =	simm.s32 $0x1880;
	s25 =	sshll.u32 s0, $0x1;
	s18 =	smul.u32 $0xC8000, s14  }
0x6: {  	s29 =	simm.s32 $0x0;
	s17 =	sor.u32 s14, s25;
	s20 =	smul.u32 $0x19000, s14  }
0x7: {  	[smem:$0x7FF] =	sst s3;
	s16 =	sadd.s32 $0xD400, s5;
	s4 =	smul.u32 $0x1900, s17  }
0x8: {  	_ =	strace $0x80000047;
	s7 =	ssub.s32 $0x2, s14;
	s8 =	smul.u32 $0xC8000, s17  }
0x9: {  	s25 =	simm.s32 $0x1780;
	s9 =	sshrl.u32 s7, $0x1;
	s10 =	smul.u32 $0x19000, s17  }
0xa: {  	p0 =	sne.s32 s17, $0x0;
	s17 =	simm.s32 $0x2;
	s9 =	ssub.s32 s7, s9  }
0xb: {  	s15 =	sadd.s32 s18, s15;
	s18 =	sadd.s32 s30, s16;
	s4 =	sshrl.u32 s4, $0x3  }
0xc: {  	s26 =	sshrl.u32 s8, $0x3;
	s9 =	smax.u32 s9, $0x1;
	s12 =	sadd.s32 s16, s10  }
0xd: {  	s19 =	sshrl.u32 s15, $0x3;
	s15 =	sadd.s32 $0xC000, s15;
	s6 =	sadd.s32 s4, s5  }
0xe: {  	s4 =	sadd.s32 $0x2800, s5;
	s5 =	sadd.s32 $0xCE00, s5;
	s13 =	sadd.s32 s16, s26  }
0xf: {  	s11 =	sadd.s32 $0x16800, s12;
	s12 =	sadd.s32 $0x17000, s12;
	s14 =	sadd.s32 s19, s16  }
0x10: {  	s31 =	sshrl.u32 s15, $0x3;
	s15 =	sadd.s32 s20, s18;
	s18 =	simm.s32 $0x80  }
0x11: {  	s19 =	simm.s32 $0x1900;
	s20 =	simm.s32 $0x5900;
	s26 =	simm.s32 $0x1800  }
0x12: {  	s6 =	sadd.s32 $0x6A00, s6;
	s7 =	sadd.s32 $0x18000, s13;
	s8 =	sadd.s32 $0x18800, s13  }
0x13: {  	s10 =	sadd.s32 $0x16000, s13;
	s13 =	sadd.s32 $0x17800, s13;
	s16 =	sadd.s32 s31, s16  }
.LBB2_1:
0x14: {  	[tilespmem:s3], [sflag:$0x2] =	stream.linear.gather [hbm4b:s6+s3], $0x1900, $0x38;
	[tilespmem:$0x14180] =	vst v63  }
0x15: {  	_ =	swait.ge [sflag:s17], $0x1900  }
0x16: {  	s30 =	simm.s32 @!p0 $0x0;
	[sflag:s17] =	ssyncset.done $0x0  }
0x17: {  	s31 =	simm.s32 @!p0 $0x11900;
	s1 =	simm.s32 @!p0 $0x2;
	[sflag:s17] =	ssyncadd.s32 $0xFFFFE700  }
0x18: {  	[tilespmem:s31], [sflag:$0x2] =	stream.linear.gather @!p0 [hbm4b:s4+s30], $0x80, $0x38;
	[tilespmem:$0x14180] =	vst v63  }
0x19: {  	_ =	swait.ge @!p0 [sflag:s1], $0x80  }
0x1a: {  	[sflag:s1] =	ssyncset.done @!p0 $0x0  }
0x1b: {  	s0 =	simm.s32 @!p0 $0x50;
	s21 =	simm.s32 @!p0 $0x11980;
	[sflag:s1] =	ssyncadd.s32 @!p0 $0xFFFFFF80  }
0x1c: {  	[tilespmem:s21], [sflag:$0x1] =	stream.indirect.gather @!p0 [hbm4b:s2+s0], $0x80, s31, s0, $0xb8;
	[tilespmem:$0x14180] =	vst v63  }
0x1d: {  	s0 =	simm.s32 @!p0 $0x1  }
0x1e: {  	_ =	swait.ge @!p0 [sflag:s0], $0x2800  }
0x1f: {  	[sflag:s0] =	ssyncset.done @!p0 $0x0  }
0x20: {  	[sflag:s0] =	ssyncadd.s32 @!p0 $0xFFFFD800  }
0x21: {  	[hbm4b:s5+s30] =	stream.linear.scatter @!p0 [tilespmem:s21], [sflag:$0x2], $0x2800, $0x38;
	[tilespmem:$0x14180] =	vst v63  }
0x22: {  	_ =	swait.ge @!p0 [sflag:s1], $0x2800  }
0x23: {  	[sflag:s1] =	ssyncset.done @!p0 $0x0  }
0x24: {  	[sflag:s1] =	ssyncadd.s32 @!p0 $0xFFFFD800  }
0x25: {  	[tilespmem:s19], [sflag:$0x1] =	stream.indirect.gather [hbm4b:s2+s18], $0x80, s3, s18, $0xb8;
	[tilespmem:$0x14180] =	vst v63  }
0x26: {  	_ = 	snop  }
0x27: {  	[tilespmem:s20], [sflag:$0x1] =	stream.indirect.gather [hbm4b:s2+s18], $0x80, s18, s18, $0xb8;
	[tilespmem:$0x14180] =	vst v63  }
0x28: {  	s1 =	simm.s32 $0x100  }
0x29: {  	[tilespmem:s22], [sflag:$0x1] =	stream.indirect.gather [hbm4b:s2+s18], $0x80, s1, s18, $0xb8;
	[tilespmem:$0x14180] =	vst v63  }
0x2a: {  	s30 =	simm.s32 $0x180  }
0x2b: {  	[tilespmem:s23], [sflag:$0x1] =	stream.indirect.gather [hbm4b:s2+s18], $0x80, s30, s18, $0xb8;
	[tilespmem:$0x14180] =	vst v63  }
0x2c: {  	_ =	swait.ge [sflag:s24], $0x4000  }
0x2d: {  	[sflag:s24] =	ssyncset.done $0x0  }
0x2e: {  	s21 =	sadd.s32 $0x0, s14;
	[sflag:s24] =	ssyncadd.s32 $0xFFFFC000  }
0x2f: {  	[hbm4b:s21+s3] =	stream.linear.scatter [tilespmem:s19], [sflag:$0x2], $0x4000, $0x38;
	[tilespmem:$0x14180] =	vst v63  }
0x30: {  	_ =	swait.ge [sflag:s17], $0x4000  }
0x31: {  	[sflag:s17] =	ssyncset.done $0x0  }
0x32: {  	s1 =	simm.s32 $0x200;
	[sflag:s17] =	ssyncadd.s32 $0xFFFFC000  }
0x33: {  	[tilespmem:s19], [sflag:$0x1] =	stream.indirect.gather [hbm4b:s2+s18], $0x80, s1, s18, $0xb8;
	[tilespmem:$0x14180] =	vst v63  }
0x34: {  	_ =	swait.ge [sflag:s24], $0x4000  }
0x35: {  	s0 =	sadd.s32 $0x0, s15;
	[sflag:s24] =	ssyncset.done $0x0  }
0x36: {  	s21 =	sadd.s32 $0x800, s0;
	[sflag:s24] =	ssyncadd.s32 $0xFFFFC000  }
0x37: {  	[hbm4b:s21+s3] =	stream.linear.scatter [tilespmem:s20], [sflag:$0x2], $0x4000, $0x38;
	[tilespmem:$0x14180] =	vst v63  }
0x38: {  	_ =	swait.ge [sflag:s17], $0x4000  }
0x39: {  	[sflag:s17] =	ssyncset.done $0x0  }
0x3a: {  	s21 =	simm.s32 $0x280;
	[sflag:s17] =	ssyncadd.s32 $0xFFFFC000  }
0x3b: {  	[tilespmem:s20], [sflag:$0x1] =	stream.indirect.gather [hbm4b:s2+s18], $0x80, s21, s18, $0xb8;
	[tilespmem:$0x14180] =	vst v63  }
0x3c: {  	_ =	swait.ge [sflag:s24], $0x4000  }
0x3d: {  	[sflag:s24] =	ssyncset.done $0x0  }
0x3e: {  	s0 =	sadd.s32 $0x1000, s0;
	[sflag:s24] =	ssyncadd.s32 $0xFFFFC000  }
0x3f: {  	[hbm4b:s0+s3] =	stream.linear.scatter [tilespmem:s22], [sflag:$0x2], $0x4000, $0x38;
	[tilespmem:$0x14180] =	vst v63  }
0x40: {  	_ =	swait.ge [sflag:s17], $0x4000  }
0x41: {  	[sflag:s17] =	ssyncset.done $0x0  }
0x42: {  	s1 =	simm.s32 $0x300;
	[sflag:s17] =	ssyncadd.s32 $0xFFFFC000  }
0x43: {  	[tilespmem:s22], [sflag:$0x1] =	stream.indirect.gather [hbm4b:s2+s18], $0x80, s1, s18, $0xb8;
	[tilespmem:$0x14180] =	vst v63  }
0x44: {  	_ =	swait.ge [sflag:s24], $0x4000  }
0x45: {  	[sflag:s24] =	ssyncset.done $0x0  }
0x46: {  	s21 =	sadd.s32 $0x0, s16;
	[sflag:s24] =	ssyncadd.s32 $0xFFFFC000  }
0x47: {  	[hbm4b:s21+s3] =	stream.linear.scatter [tilespmem:s23], [sflag:$0x2], $0x4000, $0x38;
	[tilespmem:$0x14180] =	vst v63  }
0x48: {  	_ =	swait.ge [sflag:s17], $0x4000  }
0x49: {  	s31 =	simm.s32 $0x2000;
	[sflag:s17] =	ssyncset.done $0x0  }
.LBB2_2:
0x4a: {  	p1 =	sne.s32 s31, $0x14000;
	[sflag:s17] =	ssyncadd.s32 $0xFFFFC000;
	s30 =	sadd.s32 $0x200, s30  }
0x4b: {  	[tilespmem:s23], [sflag:$0x1] =	stream.indirect.gather [hbm4b:s2+s18], $0x80, s30, s18, $0xb8;
	[tilespmem:$0x14180] =	vst v63  }
0x4c: {  	s0 =	smov.u32 s31;
	s31 =	sadd.s32 $0x2000, s31;
	_ =	swait.ge [sflag:s24], $0x4000  }
0x4d: {  	[sflag:s24] =	ssyncset.done $0x0  }
0x4e: {  	s1 =	sadd.s32 s0, s14;
	[sflag:s24] =	ssyncadd.s32 $0xFFFFC000  }
0x4f: {  	[hbm4b:s1+s3] =	stream.linear.scatter [tilespmem:s19], [sflag:$0x2], $0x4000, $0x38;
	[tilespmem:$0x14180] =	vst v63  }
0x50: {  	_ =	swait.ge [sflag:s17], $0x4000  }
0x51: {  	[sflag:s17] =	ssyncset.done $0x0  }
0x52: {  	s1 =	sadd.s32 $0x80, s30;
	[sflag:s17] =	ssyncadd.s32 $0xFFFFC000  }
0x53: {  	[tilespmem:s19], [sflag:$0x1] =	stream.indirect.gather [hbm4b:s2+s18], $0x80, s1, s18, $0xb8;
	[tilespmem:$0x14180] =	vst v63  }
0x54: {  	_ =	swait.ge [sflag:s24], $0x4000  }
0x55: {  	s1 =	sadd.s32 s0, s15;
	[sflag:s24] =	ssyncset.done $0x0  }
0x56: {  	s21 =	sadd.s32 $0x800, s1;
	[sflag:s24] =	ssyncadd.s32 $0xFFFFC000  }
0x57: {  	[hbm4b:s21+s3] =	stream.linear.scatter [tilespmem:s20], [sflag:$0x2], $0x4000, $0x38;
	[tilespmem:$0x14180] =	vst v63  }
0x58: {  	_ =	swait.ge [sflag:s17], $0x4000  }
0x59: {  	[sflag:s17] =	ssyncset.done $0x0  }
0x5a: {  	s21 =	sadd.s32 $0x100, s30;
	[sflag:s17] =	ssyncadd.s32 $0xFFFFC000  }
0x5b: {  	[tilespmem:s20], [sflag:$0x1] =	stream.indirect.gather [hbm4b:s2+s18], $0x80, s21, s18, $0xb8;
	[tilespmem:$0x14180] =	vst v63  }
0x5c: {  	_ =	swait.ge [sflag:s24], $0x4000  }
0x5d: {  	[sflag:s24] =	ssyncset.done $0x0  }
0x5e: {  	s1 =	sadd.s32 $0x1000, s1;
	[sflag:s24] =	ssyncadd.s32 $0xFFFFC000  }
0x5f: {  	[hbm4b:s1+s3] =	stream.linear.scatter [tilespmem:s22], [sflag:$0x2], $0x4000, $0x38;
	[tilespmem:$0x14180] =	vst v63  }
0x60: {  	_ =	swait.ge [sflag:s17], $0x4000  }
0x61: {  	[sflag:s17] =	ssyncset.done $0x0  }
0x62: {  	s1 =	sadd.s32 $0x180, s30;
	[sflag:s17] =	ssyncadd.s32 $0xFFFFC000  }
0x63: {  	[tilespmem:s22], [sflag:$0x1] =	stream.indirect.gather [hbm4b:s2+s18], $0x80, s1, s18, $0xb8;
	[tilespmem:$0x14180] =	vst v63  }
0x64: {  	_ =	swait.ge [sflag:s24], $0x4000  }
.Ltmp0:
0x65: {  	[sflag:s24] =	ssyncset.done $0x0;
	(pc) =	sbr.rel @p1 .LBB2_2-.Ltmp0, $4  }
0x66: {  	s0 =	sadd.s32 s0, s16;
	[sflag:s24] =	ssyncadd.s32 $0xFFFFC000  }
0x67: {  	[hbm4b:s0+s3] =	stream.linear.scatter [tilespmem:s23], [sflag:$0x2], $0x4000, $0x38;
	[tilespmem:$0x14180] =	vst v63  }
0x68: {  	_ =	swait.ge [sflag:s17], $0x4000  }
0x69: {  	[sflag:s17] =	ssyncset.done $0x0  }
0x6a: {  	[sflag:s17] =	ssyncadd.s32 $0xFFFFC000  }
0x6b: {  	[tilespmem:s23], [sflag:$0x1] =	stream.indirect.gather [hbm4b:s2+s18], $0x80, s25, s18, $0xb8;
	[tilespmem:$0x14180] =	vst v63  }
0x6c: {  	_ =	swait.ge [sflag:s24], $0x4000  }
0x6d: {  	[sflag:s24] =	ssyncset.done $0x0  }
0x6e: {  	[sflag:s24] =	ssyncadd.s32 $0xFFFFC000  }
0x6f: {  	[hbm4b:s10+s3] =	stream.linear.scatter [tilespmem:s19], [sflag:$0x2], $0x4000, $0x38;
	[tilespmem:$0x14180] =	vst v63  }
0x70: {  	_ =	swait.ge [sflag:s17], $0x4000  }
0x71: {  	[sflag:s17] =	ssyncset.done $0x0  }
0x72: {  	[sflag:s17] =	ssyncadd.s32 $0xFFFFC000  }
0x73: {  	[tilespmem:s19], [sflag:$0x1] =	stream.indirect.gather [hbm4b:s2+s18], $0x80, s26, s18, $0xb8;
	[tilespmem:$0x14180] =	vst v63  }
0x74: {  	_ =	swait.ge [sflag:s24], $0x4000  }
0x75: {  	[sflag:s24] =	ssyncset.done $0x0  }
0x76: {  	[sflag:s24] =	ssyncadd.s32 $0xFFFFC000  }
0x77: {  	[hbm4b:s11+s3] =	stream.linear.scatter [tilespmem:s20], [sflag:$0x2], $0x4000, $0x38;
	[tilespmem:$0x14180] =	vst v63  }
0x78: {  	_ =	swait.ge [sflag:s17], $0x4000  }
0x79: {  	[sflag:s17] =	ssyncset.done $0x0  }
0x7a: {  	[sflag:s17] =	ssyncadd.s32 $0xFFFFC000  }
0x7b: {  	[tilespmem:s20], [sflag:$0x1] =	stream.indirect.gather [hbm4b:s2+s18], $0x80, s28, s18, $0xb8;
	[tilespmem:$0x14180] =	vst v63  }
0x7c: {  	_ =	swait.ge [sflag:s24], $0x4000  }
0x7d: {  	[sflag:s24] =	ssyncset.done $0x0  }
0x7e: {  	[sflag:s24] =	ssyncadd.s32 $0xFFFFC000  }
0x7f: {  	[hbm4b:s12+s3] =	stream.linear.scatter [tilespmem:s22], [sflag:$0x2], $0x4000, $0x38;
	[tilespmem:$0x14180] =	vst v63  }
0x80: {  	_ =	swait.ge [sflag:s17], $0x4000  }
0x81: {  	[sflag:s17] =	ssyncset.done $0x0  }
0x82: {  	[sflag:s17] =	ssyncadd.s32 $0xFFFFC000  }
0x83: {  	_ =	swait.ge [sflag:s24], $0x4000  }
0x84: {  	[sflag:s24] =	ssyncset.done $0x0  }
0x85: {  	[sflag:s24] =	ssyncadd.s32 $0xFFFFC000  }
0x86: {  	[hbm4b:s13+s3] =	stream.linear.scatter [tilespmem:s23], [sflag:$0x2], $0x4000, $0x38;
	[tilespmem:$0x14180] =	vst v63  }
0x87: {  	_ =	swait.ge [sflag:s17], $0x4000  }
0x88: {  	[sflag:s17] =	ssyncset.done $0x0  }
0x89: {  	[sflag:s17] =	ssyncadd.s32 $0xFFFFC000  }
0x8a: {  	_ =	swait.ge [sflag:s24], $0x4000  }
0x8b: {  	[sflag:s24] =	ssyncset.done $0x0  }
0x8c: {  	[sflag:s24] =	ssyncadd.s32 $0xFFFFC000  }
0x8d: {  	[hbm4b:s7+s3] =	stream.linear.scatter [tilespmem:s19], [sflag:$0x2], $0x4000, $0x38;
	[tilespmem:$0x14180] =	vst v63  }
0x8e: {  	_ =	swait.ge [sflag:s17], $0x4000  }
0x8f: {  	[sflag:s17] =	ssyncset.done $0x0  }
0x90: {  	[sflag:s17] =	ssyncadd.s32 $0xFFFFC000  }
0x91: {  	s29 =	sadd.s32 $0x1, s29;
	_ =	swait.ge [sflag:s24], $0x4000  }
0x92: {  	p1 =	sne.s32 s29, s9;
	[sflag:s24] =	ssyncset.done $0x0  }
.Ltmp1:
0x93: {  	[sflag:s24] =	ssyncadd.s32 $0xFFFFC000;
	(pc) =	sbr.rel @p1 .LBB2_1-.Ltmp1, $4  }
0x94: {  	[hbm4b:s8+s3] =	stream.linear.scatter [tilespmem:s20], [sflag:$0x2], $0x4000, $0x38;
	[tilespmem:$0x14180] =	vst v63  }
0x95: {  	_ =	swait.ge [sflag:s17], $0x4000  }
0x96: {  	[sflag:s17] =	ssyncset.done $0x0  }
0x97: {  	[sflag:s17] =	ssyncadd.s32 $0xFFFFC000  }
0x98: {  	_ =	sfence.sel $0x180000  }
0x99: {  	[bflag:$0x0] =	sbarrier.arrive $0xFFFF  }
0x9a: {  	_ =	strace $0x90000047  }
0x9b: {  	s0 =	stileid.u32;
	[bflag:$0x2] =	sbarrier.arrive $0xFFFF  }
0x9c: {  	p0 =	sne.s32 s0, $0x0;
	s0 =	rddreg [dreg:$0x2]  }
0x9d: {  	s0 =	sadd.s32 @!p0 $0x100000, s0  }
0x9e: {  	[sflag:s0] =	ssyncadd.tile.s32 @!p0 $0x1;
	_ =	shalt  }
.Lfunc_end2:
_tile_overlayer_lowered:
.L_overlay_start_2:
0x9f: {  	(tag) =	ssettag $0x2  }
0xa0: {  	s0 =	rddreg [dreg:$0x0];
	s2 =	stileid.u32  }
0xa1: {  	s1 =	rddreg [dreg:$0x1];
	p0 =	sne.s32 s2, $0x0  }
0xa2: {  	s3 =	rddreg [dreg:$0x2];
	[bflag:$0x3] =	sbarrier.arrive $0xFFFF;
	s2 =	simm.s32 @!p0 $0x1C02  }
0xa3: {  	[timem:s3], [sflag:s2] =	dma.local @!p0 [hbm:s0], s1  }
0xa4: {  	s0 =	simm.s32 @!p0 $0x2  }
0xa5: {  	_ =	swait.ge @!p0 [sflag:s0], s1  }
0xa6: {  	s1 =	ssub.s32 @!p0 $0x0, s1;
	[sflag:s0] =	ssyncset.done @!p0 $0x0  }
0xa7: {  	[sflag:s0] =	ssyncadd.s32 @!p0 s1  }
0xa8: {  	[bflag:$0x3] =	sbarrier.arrive $0xFFFF  }
0xa9: {  	_ =	shalt  }

</sc_bundles>
